<compile_context>
chip_gen: v7x
topology: tpu7x:2x2x1
jax: 0.10.2.dev20260603
libtpu: 0.0.44.dev20260713+nightly
codegen_flags: <defaults>
</compile_context>

<pallas_src>
import functools

import jax
import jax.numpy as jnp
from jax import lax
from jax.experimental import pallas as pl
from jax.experimental.pallas import tpu as pltpu
from jax.experimental.pallas import tpu_sc as plsc

H = 128
CHUNK = 128
NBUF = 3


def _sc_segment_sum(e, idx3, n_pad):
    n_chunks = idx3.shape[0]
    info = plsc.get_sparse_core_info()
    nc, ns = info.num_cores, info.num_subcores
    nw = nc * ns
    rows_per_tile = n_pad // ns
    n_trips = (-(-n_chunks // nw) + NBUF - 1) // NBUF

    mesh = plsc.VectorSubcoreMesh(core_axis_name="c", subcore_axis_name="s")

    @functools.partial(
        pl.kernel,
        mesh=mesh,
        out_type=jax.ShapeDtypeStruct((nc, n_pad, H), jnp.float32),
        scratch_types=[
            pltpu.VMEM((1, CHUNK), jnp.int32),
            pltpu.VMEM((1, CHUNK), jnp.int32),
            pltpu.VMEM((1, CHUNK), jnp.int32),
            pltpu.VMEM((CHUNK, H), jnp.float32),
            pltpu.VMEM((CHUNK, H), jnp.float32),
            pltpu.VMEM((CHUNK, H), jnp.float32),
            pltpu.SemaphoreType.DMA,
            pltpu.SemaphoreType.DMA,
            pltpu.SemaphoreType.DMA,
            pltpu.SemaphoreType.DMA,
            pltpu.SemaphoreType.DMA,
            pltpu.SemaphoreType.DMA,
            pltpu.VMEM_SHARED((n_pad, H), jnp.float32),
        ],
    )
    def k(e_hbm, idx_hbm, out_hbm, idx_a, idx_b, idx_c, rows_a, rows_b,
          rows_c, sem_a, sem_b, sem_c, ssem_a, ssem_b, ssem_c, acc_sh):
        c = lax.axis_index("c")
        s = lax.axis_index("s")
        wid = s * nc + c
        cbase = n_chunks // nw
        cextra = n_chunks - cbase * nw
        start = wid * cbase + jnp.minimum(wid, cextra)
        cnt = cbase + jnp.where(wid < cextra, 1, 0)
        idx_bufs = [idx_a, idx_b, idx_c]
        rows_bufs = [rows_a, rows_b, rows_c]
        sems = [sem_a, sem_b, sem_c]
        ssems = [ssem_a, ssem_b, ssem_c]

        def fetch(ch, idx_v, rows_v, sem):
            pltpu.make_async_copy(idx_hbm.at[ch], idx_v, sem).start()
            pltpu.make_async_copy(
                e_hbm.at[pl.ds(ch * CHUNK, CHUNK)], rows_v, sem
            ).start()

        def drain_and_scatter(ch, idx_v, rows_v, sem, ssem):
            pltpu.make_async_copy(idx_hbm.at[ch], idx_v, sem).wait()
            pltpu.make_async_copy(
                e_hbm.at[pl.ds(ch * CHUNK, CHUNK)], rows_v, sem
            ).wait()
            pltpu.make_async_copy(
                rows_v, acc_sh.at[idx_v.at[0]], ssem
            ).start(add=True)

        for b in range(2):
            fetch(start + b, idx_bufs[b], rows_bufs[b], sems[b])

        ZR = 32

        def zrow(i, _):
            def zcol(j, _):
                rows_c[i, pl.ds(j * 16, 16)] = jnp.zeros((16,), jnp.float32)
                return 0

            return lax.fori_loop(0, H // 16, zcol, 0)

        lax.fori_loop(0, ZR, zrow, 0)

        base = s * rows_per_tile
        nfull = rows_per_tile // ZR
        rem = rows_per_tile - nfull * ZR

        def zcopy(i):
            return pltpu.make_async_copy(
                rows_c.at[pl.ds(0, ZR)],
                acc_sh.at[pl.ds(base + i * ZR, ZR)],
                ssem_c,
            )

        def zcopy_rem():
            return pltpu.make_async_copy(
                rows_c.at[pl.ds(0, rem)],
                acc_sh.at[pl.ds(base + nfull * ZR, rem)],
                ssem_c,
            )

        for i in range(nfull):
            zcopy(i).start()
        if rem:
            zcopy_rem().start()
        for i in range(nfull):
            zcopy(i).wait()
        if rem:
            zcopy_rem().wait()

        fetch(start + 2, idx_bufs[2], rows_bufs[2], sems[2])
        plsc.subcore_barrier()

        def scatter_wait(idx_v, rows_v, ssem):
            pltpu.make_async_copy(
                rows_v, acc_sh.at[idx_v.at[0]], ssem
            ).wait()

        def body(t, _):
            for b in range(NBUF):
                kk = NBUF * t + b
                kf = kk + NBUF

                @pl.when(kk < cnt)
                def _(b=b, kk=kk):
                    drain_and_scatter(
                        start + kk, idx_bufs[b], rows_bufs[b], sems[b],
                        ssems[b],
                    )

                @pl.when(kf < cnt)
                def _(b=b, kf=kf):
                    scatter_wait(idx_bufs[b], rows_bufs[b], ssems[b])
                    fetch(start + kf, idx_bufs[b], rows_bufs[b], sems[b])

            return 0

        lax.fori_loop(0, n_trips, body, 0)

        for b in range(NBUF):
            tail = cnt - NBUF + b

            @pl.when(tail >= 0)
            def _(b=b):
                scatter_wait(idx_bufs[b], rows_bufs[b], ssems[b])

        plsc.subcore_barrier()

        pltpu.sync_copy(
            acc_sh.at[pl.ds(base, rows_per_tile)],
            out_hbm.at[c, pl.ds(base, rows_per_tile)],
        )

    return k(e, idx3)


def _tc_mlp(acc2, v, W1, b1, W2, b2):
    n = v.shape[0]
    blk = 5000

    def body(a0_ref, a1_ref, v_ref, w1_ref, b1_ref, w2_ref, b2_ref, o_ref):
        a = a0_ref[0] + a1_ref[0]
        h = jnp.dot(a, w1_ref[...], preferred_element_type=jnp.float32)
        h = jnp.maximum(h + b1_ref[...], 0.0)
        o = jnp.dot(h, w2_ref[...], preferred_element_type=jnp.float32)
        o_ref[...] = o + b2_ref[...] + v_ref[...]

    return pl.pallas_call(
        body,
        grid=(n // blk,),
        in_specs=[
            pl.BlockSpec((1, blk, H), lambda i: (0, i, 0)),
            pl.BlockSpec((1, blk, H), lambda i: (1, i, 0)),
            pl.BlockSpec((blk, H), lambda i: (i, 0)),
            pl.BlockSpec((H, H), lambda i: (0, 0)),
            pl.BlockSpec((1, H), lambda i: (0, 0)),
            pl.BlockSpec((H, H), lambda i: (0, 0)),
            pl.BlockSpec((1, H), lambda i: (0, 0)),
        ],
        out_specs=pl.BlockSpec((blk, H), lambda i: (i, 0)),
        out_shape=jax.ShapeDtypeStruct((n, H), jnp.float32),
    )(acc2, acc2, v, W1, b1.reshape(1, H), W2, b2.reshape(1, H))


def kernel(v, e, edge_index, W1, b1, W2, b2):
    n_pad = 10112
    idx3 = edge_index[1].astype(jnp.int32).reshape(-1, 1, CHUNK)
    acc2 = _sc_segment_sum(e, idx3, n_pad)
    return _tc_mlp(acc2, v, W1, b1, W2, b2)

# --- scband reference (transcript-rebuilt; emitter-appended) ---
"""Pipeline reference for scband-update-v-60653528154555 (READ-ONLY COPY).

The authoritative reference and input builder live on the scoring server;
editing this copy changes nothing except your own understanding.
"""

import jax, jax.numpy as jnp
import numpy as np

HIDDEN = 128
N_NODES = 10000
N_EDGES = 320000

def setup_inputs(seed: int = 0) -> dict:
    key = jax.random.key(seed)
    k1, k2, k3, k4, k5, k6, k7 = jax.random.split(key, 7)
    v = jax.random.normal(k1, (N_NODES, HIDDEN), dtype=jnp.float32)
    e = jax.random.normal(k2, (N_EDGES, HIDDEN), dtype=jnp.float32)
    edge_index = jax.random.randint(k3, (2, N_EDGES), 0, N_NODES, dtype=jnp.int64)
    lim = 1.0 / np.sqrt(HIDDEN)
    W1 = jax.random.uniform(k4, (HIDDEN, HIDDEN), dtype=jnp.float32, minval=-lim, maxval=lim)
    b1 = jax.random.uniform(k5, (HIDDEN,), dtype=jnp.float32, minval=-lim, maxval=lim)
    W2 = jax.random.uniform(k6, (HIDDEN, HIDDEN), dtype=jnp.float32, minval=-lim, maxval=lim)
    b2 = jax.random.uniform(k7, (HIDDEN,), dtype=jnp.float32, minval=-lim, maxval=lim)
    return {"v": v, "e": e, "edge_index": edge_index, "W1": W1, "b1": b1, "W2": W2, "b2": b2}

def reference(v, e, edge_index, W1, b1, W2, b2):
    # _, i = edge_index  (destination nodes)
    i = edge_index[1]
    # scatter-add of edge features onto destination nodes
    out = jax.ops.segment_sum(e, i, num_segments=v.shape[0])
    # lin1 -> relu -> lin2 (dropout is identity at inference)
    out = out @ W1 + b1
    out = jax.nn.relu(out)
    out = out @ W2 + b2
    # segment_sum with num_segments=N already matches len(v); torch padding branch is a no-op
    return v + out

if __name__ == "__main__":
    import jax
    _d = setup_inputs()
    print(jax.jit(kernel)(*tuple(_d.values())))

</pallas_src>

<mosaic_0001>
#map = affine_map<(d0, d1) -> (0, 0)>
#map1 = affine_map<(d0, d1) -> (0, 0, 0)>
module attributes {stable_mosaic.version = 14 : i64} {
  func.func @k(%arg0: i32, %arg1: i32, %arg2: memref<320000x128xf32, #tpu.memory_space<hbm>>, %arg3: memref<2500x1x128xi32, #tpu.memory_space<hbm>>, %arg4: memref<2x10112x128xf32, #tpu.memory_space<hbm>>, %arg5: memref<1x128xi32, #tpu.memory_space<vmem>>, %arg6: memref<1x128xi32, #tpu.memory_space<vmem>>, %arg7: memref<1x128xi32, #tpu.memory_space<vmem>>, %arg8: memref<128x128xf32, #tpu.memory_space<vmem>>, %arg9: memref<128x128xf32, #tpu.memory_space<vmem>>, %arg10: memref<128x128xf32, #tpu.memory_space<vmem>>, %arg11: memref<!tpu.dma_semaphore, #tpu.memory_space<semaphore_mem>>, %arg12: memref<!tpu.dma_semaphore, #tpu.memory_space<semaphore_mem>>, %arg13: memref<!tpu.dma_semaphore, #tpu.memory_space<semaphore_mem>>, %arg14: memref<!tpu.dma_semaphore, #tpu.memory_space<semaphore_mem>>, %arg15: memref<!tpu.dma_semaphore, #tpu.memory_space<semaphore_mem>>, %arg16: memref<!tpu.dma_semaphore, #tpu.memory_space<semaphore_mem>>, %arg17: memref<10112x128xf32, #tpu.memory_space<vmem_shared>>) attributes {dimension_semantics = [#tpu.dimension_semantics<core_parallel>, #tpu.dimension_semantics<subcore_parallel>], iteration_bounds = array<i64: 2, 16>, scalar_prefetch = 0 : i64, scratch_operands = 13 : i64, tpu.core_type = #tpu.core_type<sc_vector_subcore>, window_params = [{transform_indices = #map}, {transform_indices = #map1}, {transform_indices = #map1}]} {
    %mul3A = arith.constant 2 : i32
    %mul3A_0 = arith.muli %arg1, %mul3A : i32
    %add3A = arith.addi %mul3A_0, %arg0 : i32
    %mul3A_1 = arith.constant 78 : i32
    %mul3A_2 = arith.muli %add3A, %mul3A_1 : i32
    %min3A = arith.constant 4 : i32
    %min3A_3 = arith.minsi %add3A, %min3A : i32
    %add3A_4 = arith.addi %mul3A_2, %min3A_3 : i32
    %lt3A = arith.constant 4 : i32
    %lt3A_5 = arith.cmpi slt, %add3A, %lt3A : i32
    %jit3A = arith.constant 1 : i32
    %jit3A_6 = arith.constant 0 : i32
    %select_n3A = arith.select %lt3A_5, %jit3A, %jit3A_6 : i32
    %add3A_7 = arith.constant 78 : i32
    %add3A_8 = arith.addi %add3A_7, %select_n3A : i32
    %add3A_9 = arith.constant 0 : i32
    %add3A_10 = arith.addi %add3A_4, %add3A_9 : i32
    %dma_start3A = arith.constant 0 : i32
    %dma_start3A_11 = arith.constant 0 : i32
    %dma_start3A_12 = tpu.memref_slice %arg3[%add3A_10, %dma_start3A, %dma_start3A_11] : memref<2500x1x128xi32, #tpu.memory_space<hbm>> -> memref<1x1x128xi32, #tpu.memory_space<hbm>>
    %dma_start3A_13 = tpu.memref_squeeze %dma_start3A_12 : memref<1x1x128xi32, #tpu.memory_space<hbm>> -> memref<1x128xi32, #tpu.memory_space<hbm>>
    %dma_start3A_14 = arith.constant 0 : i32
    %dma_start3A_15 = arith.constant 0 : i32
    %dma_start3A_16 = tpu.memref_slice %arg3[%add3A_10, %dma_start3A_14, %dma_start3A_15] : memref<2500x1x128xi32, #tpu.memory_space<hbm>> -> memref<1x1x128xi32, #tpu.memory_space<hbm>>
    %dma_start3A_17 = tpu.memref_squeeze %dma_start3A_16 : memref<1x1x128xi32, #tpu.memory_space<hbm>> -> memref<1x128xi32, #tpu.memory_space<hbm>>
    tpu.enqueue_dma source(%dma_start3A_17 : memref<1x128xi32, #tpu.memory_space<hbm>>) target(%arg5 : memref<1x128xi32, #tpu.memory_space<vmem>>) target_semaphore(%arg11 : memref<!tpu.dma_semaphore, #tpu.memory_space<semaphore_mem>>)
    %mul3A_18 = arith.constant 128 : i32
    %mul3A_19 = arith.muli %add3A_10, %mul3A_18 : i32
    %dma_start3A_20 = arith.constant 0 : i32
    %dma_start3A_21 = tpu.memref_slice %arg2[%mul3A_19, %dma_start3A_20] : memref<320000x128xf32, #tpu.memory_space<hbm>> -> memref<128x128xf32, #tpu.memory_space<hbm>>
    %dma_start3A_22 = arith.constant 0 : i32
    %dma_start3A_23 = tpu.memref_slice %arg2[%mul3A_19, %dma_start3A_22] : memref<320000x128xf32, #tpu.memory_space<hbm>> -> memref<128x128xf32, #tpu.memory_space<hbm>>
    tpu.enqueue_dma source(%dma_start3A_23 : memref<128x128xf32, #tpu.memory_space<hbm>>) target(%arg8 : memref<128x128xf32, #tpu.memory_space<vmem>>) target_semaphore(%arg11 : memref<!tpu.dma_semaphore, #tpu.memory_space<semaphore_mem>>)
    %add3A_24 = arith.constant 1 : i32
    %add3A_25 = arith.addi %add3A_4, %add3A_24 : i32
    %dma_start3A_26 = arith.constant 0 : i32
    %dma_start3A_27 = arith.constant 0 : i32
    %dma_start3A_28 = tpu.memref_slice %arg3[%add3A_25, %dma_start3A_26, %dma_start3A_27] : memref<2500x1x128xi32, #tpu.memory_space<hbm>> -> memref<1x1x128xi32, #tpu.memory_space<hbm>>
    %dma_start3A_29 = tpu.memref_squeeze %dma_start3A_28 : memref<1x1x128xi32, #tpu.memory_space<hbm>> -> memref<1x128xi32, #tpu.memory_space<hbm>>
    %dma_start3A_30 = arith.constant 0 : i32
    %dma_start3A_31 = arith.constant 0 : i32
    %dma_start3A_32 = tpu.memref_slice %arg3[%add3A_25, %dma_start3A_30, %dma_start3A_31] : memref<2500x1x128xi32, #tpu.memory_space<hbm>> -> memref<1x1x128xi32, #tpu.memory_space<hbm>>
    %dma_start3A_33 = tpu.memref_squeeze %dma_start3A_32 : memref<1x1x128xi32, #tpu.memory_space<hbm>> -> memref<1x128xi32, #tpu.memory_space<hbm>>
    tpu.enqueue_dma source(%dma_start3A_33 : memref<1x128xi32, #tpu.memory_space<hbm>>) target(%arg6 : memref<1x128xi32, #tpu.memory_space<vmem>>) target_semaphore(%arg12 : memref<!tpu.dma_semaphore, #tpu.memory_space<semaphore_mem>>)
    %mul3A_34 = arith.constant 128 : i32
    %mul3A_35 = arith.muli %add3A_25, %mul3A_34 : i32
    %dma_start3A_36 = arith.constant 0 : i32
    %dma_start3A_37 = tpu.memref_slice %arg2[%mul3A_35, %dma_start3A_36] : memref<320000x128xf32, #tpu.memory_space<hbm>> -> memref<128x128xf32, #tpu.memory_space<hbm>>
    %dma_start3A_38 = arith.constant 0 : i32
    %dma_start3A_39 = tpu.memref_slice %arg2[%mul3A_35, %dma_start3A_38] : memref<320000x128xf32, #tpu.memory_space<hbm>> -> memref<128x128xf32, #tpu.memory_space<hbm>>
    tpu.enqueue_dma source(%dma_start3A_39 : memref<128x128xf32, #tpu.memory_space<hbm>>) target(%arg9 : memref<128x128xf32, #tpu.memory_space<vmem>>) target_semaphore(%arg12 : memref<!tpu.dma_semaphore, #tpu.memory_space<semaphore_mem>>)
    %scan3A = arith.constant 0 : i32
    %scan3A_40 = arith.constant 0 : i32
    %scan3A_41 = arith.constant 32 : i32
    %scan3A_42 = arith.addi %scan3A_40, %scan3A_41 : i32
    %scan3A_43 = arith.constant 1 : i32
    %scan3A_44 = scf.for %scan3A_574 = %scan3A_40 to %scan3A_42 step %scan3A_43 iter_args(%scan3A_575 = %scan3A) -> (i32)  : i32 {
      %scan3A_576 = arith.constant 0 : i32
      %scan3A_577 = arith.constant 0 : i32
      %scan3A_578 = arith.constant 8 : i32
      %scan3A_579 = arith.addi %scan3A_577, %scan3A_578 : i32
      %scan3A_580 = arith.constant 1 : i32
      %scan3A_581 = scf.for %scan3A_583 = %scan3A_577 to %scan3A_579 step %scan3A_580 iter_args(%scan3A_584 = %scan3A_576) -> (i32)  : i32 {
        %broadcast_in_dim3A = arith.constant 0.000000e+00 : f32
        %broadcast_in_dim3A_585 = vector.broadcast %broadcast_in_dim3A : f32 to vector<16xf32>
        %mul3A_586 = arith.constant 16 : i32
        %mul3A_587 = arith.muli %scan3A_583, %mul3A_586 : i32
        %swap3A = arith.index_cast %scan3A_574 : i32 to index
        %swap3A_588 = arith.index_cast %mul3A_587 : i32 to index
        %swap3A_589 = tpu.vector_load %arg10[%swap3A, %swap3A_588] {strides = array<i32>} : memref<128x128xf32, #tpu.memory_space<vmem>>, vector<1x16xf32>,
        %swap3A_590 = vector.shape_cast %swap3A_589 : vector<1x16xf32> to vector<16xf32>
        %swap3A_591 = vector.shape_cast %broadcast_in_dim3A_585 : vector<16xf32> to vector<1x16xf32>
        tpu.vector_store %arg10[%swap3A, %swap3A_588], %swap3A_591 {strides = array<i32>} : memref<128x128xf32, #tpu.memory_space<vmem>>, vector<1x16xf32>,
        %scan3A_592 = arith.constant 0 : i32
        scf.yield %scan3A_592 : i32
      }
      %scan3A_582 = arith.constant 8 : i32
      scf.yield %scan3A_581 : i32
    }
    %scan3A_45 = arith.constant 32 : i32
    %mul3A_46 = arith.constant 632 : i32
    %mul3A_47 = arith.muli %arg1, %mul3A_46 : i32
    %add3A_48 = arith.constant 0 : i32
    %add3A_49 = arith.addi %mul3A_47, %add3A_48 : i32
    %dma_start3A_50 = arith.constant 0 : i32
    %dma_start3A_51 = arith.constant 0 : i32
    %dma_start3A_52 = tpu.memref_slice %arg10[%dma_start3A_50, %dma_start3A_51] : memref<128x128xf32, #tpu.memory_space<vmem>> -> memref<32x128xf32, #tpu.memory_space<vmem>>
    %dma_start3A_53 = arith.constant 0 : i32
    %dma_start3A_54 = tpu.memref_slice %arg17[%add3A_49, %dma_start3A_53] : memref<10112x128xf32, #tpu.memory_space<vmem_shared>> -> memref<32x128xf32, #tpu.memory_space<vmem_shared>>
    %dma_start3A_55 = arith.constant 0 : i32
    %dma_start3A_56 = tpu.memref_slice %arg17[%add3A_49, %dma_start3A_55] : memref<10112x128xf32, #tpu.memory_space<vmem_shared>> -> memref<32x128xf32, #tpu.memory_space<vmem_shared>>
    %dma_start3A_57 = arith.constant 0 : i32
    %dma_start3A_58 = arith.constant 0 : i32
    %dma_start3A_59 = tpu.memref_slice %arg10[%dma_start3A_57, %dma_start3A_58] : memref<128x128xf32, #tpu.memory_space<vmem>> -> memref<32x128xf32, #tpu.memory_space<vmem>>
    tpu.enqueue_dma source(%dma_start3A_59 : memref<32x128xf32, #tpu.memory_space<vmem>>) target(%dma_start3A_56 : memref<32x128xf32, #tpu.memory_space<vmem_shared>>) target_semaphore(%arg16 : memref<!tpu.dma_semaphore, #tpu.memory_space<semaphore_mem>>)
    %add3A_60 = arith.constant 32 : i32
    %add3A_61 = arith.addi %mul3A_47, %add3A_60 : i32
    %dma_start3A_62 = arith.constant 0 : i32
    %dma_start3A_63 = arith.constant 0 : i32
    %dma_start3A_64 = tpu.memref_slice %arg10[%dma_start3A_62, %dma_start3A_63] : memref<128x128xf32, #tpu.memory_space<vmem>> -> memref<32x128xf32, #tpu.memory_space<vmem>>
    %dma_start3A_65 = arith.constant 0 : i32
    %dma_start3A_66 = tpu.memref_slice %arg17[%add3A_61, %dma_start3A_65] : memref<10112x128xf32, #tpu.memory_space<vmem_shared>> -> memref<32x128xf32, #tpu.memory_space<vmem_shared>>
    %dma_start3A_67 = arith.constant 0 : i32
    %dma_start3A_68 = tpu.memref_slice %arg17[%add3A_61, %dma_start3A_67] : memref<10112x128xf32, #tpu.memory_space<vmem_shared>> -> memref<32x128xf32, #tpu.memory_space<vmem_shared>>
    %dma_start3A_69 = arith.constant 0 : i32
    %dma_start3A_70 = arith.constant 0 : i32
    %dma_start3A_71 = tpu.memref_slice %arg10[%dma_start3A_69, %dma_start3A_70] : memref<128x128xf32, #tpu.memory_space<vmem>> -> memref<32x128xf32, #tpu.memory_space<vmem>>
    tpu.enqueue_dma source(%dma_start3A_71 : memref<32x128xf32, #tpu.memory_space<vmem>>) target(%dma_start3A_68 : memref<32x128xf32, #tpu.memory_space<vmem_shared>>) target_semaphore(%arg16 : memref<!tpu.dma_semaphore, #tpu.memory_space<semaphore_mem>>)
    %add3A_72 = arith.constant 64 : i32
    %add3A_73 = arith.addi %mul3A_47, %add3A_72 : i32
    %dma_start3A_74 = arith.constant 0 : i32
    %dma_start3A_75 = arith.constant 0 : i32
    %dma_start3A_76 = tpu.memref_slice %arg10[%dma_start3A_74, %dma_start3A_75] : memref<128x128xf32, #tpu.memory_space<vmem>> -> memref<32x128xf32, #tpu.memory_space<vmem>>
    %dma_start3A_77 = arith.constant 0 : i32
    %dma_start3A_78 = tpu.memref_slice %arg17[%add3A_73, %dma_start3A_77] : memref<10112x128xf32, #tpu.memory_space<vmem_shared>> -> memref<32x128xf32, #tpu.memory_space<vmem_shared>>
    %dma_start3A_79 = arith.constant 0 : i32
    %dma_start3A_80 = tpu.memref_slice %arg17[%add3A_73, %dma_start3A_79] : memref<10112x128xf32, #tpu.memory_space<vmem_shared>> -> memref<32x128xf32, #tpu.memory_space<vmem_shared>>
    %dma_start3A_81 = arith.constant 0 : i32
    %dma_start3A_82 = arith.constant 0 : i32
    %dma_start3A_83 = tpu.memref_slice %arg10[%dma_start3A_81, %dma_start3A_82] : memref<128x128xf32, #tpu.memory_space<vmem>> -> memref<32x128xf32, #tpu.memory_space<vmem>>
    tpu.enqueue_dma source(%dma_start3A_83 : memref<32x128xf32, #tpu.memory_space<vmem>>) target(%dma_start3A_80 : memref<32x128xf32, #tpu.memory_space<vmem_shared>>) target_semaphore(%arg16 : memref<!tpu.dma_semaphore, #tpu.memory_space<semaphore_mem>>)
    %add3A_84 = arith.constant 96 : i32
    %add3A_85 = arith.addi %mul3A_47, %add3A_84 : i32
    %dma_start3A_86 = arith.constant 0 : i32
    %dma_start3A_87 = arith.constant 0 : i32
    %dma_start3A_88 = tpu.memref_slice %arg10[%dma_start3A_86, %dma_start3A_87] : memref<128x128xf32, #tpu.memory_space<vmem>> -> memref<32x128xf32, #tpu.memory_space<vmem>>
    %dma_start3A_89 = arith.constant 0 : i32
    %dma_start3A_90 = tpu.memref_slice %arg17[%add3A_85, %dma_start3A_89] : memref<10112x128xf32, #tpu.memory_space<vmem_shared>> -> memref<32x128xf32, #tpu.memory_space<vmem_shared>>
    %dma_start3A_91 = arith.constant 0 : i32
    %dma_start3A_92 = tpu.memref_slice %arg17[%add3A_85, %dma_start3A_91] : memref<10112x128xf32, #tpu.memory_space<vmem_shared>> -> memref<32x128xf32, #tpu.memory_space<vmem_shared>>
    %dma_start3A_93 = arith.constant 0 : i32
    %dma_start3A_94 = arith.constant 0 : i32
    %dma_start3A_95 = tpu.memref_slice %arg10[%dma_start3A_93, %dma_start3A_94] : memref<128x128xf32, #tpu.memory_space<vmem>> -> memref<32x128xf32, #tpu.memory_space<vmem>>
    tpu.enqueue_dma source(%dma_start3A_95 : memref<32x128xf32, #tpu.memory_space<vmem>>) target(%dma_start3A_92 : memref<32x128xf32, #tpu.memory_space<vmem_shared>>) target_semaphore(%arg16 : memref<!tpu.dma_semaphore, #tpu.memory_space<semaphore_mem>>)
    %add3A_96 = arith.constant 128 : i32
    %add3A_97 = arith.addi %mul3A_47, %add3A_96 : i32
    %dma_start3A_98 = arith.constant 0 : i32
    %dma_start3A_99 = arith.constant 0 : i32
    %dma_start3A_100 = tpu.memref_slice %arg10[%dma_start3A_98, %dma_start3A_99] : memref<128x128xf32, #tpu.memory_space<vmem>> -> memref<32x128xf32, #tpu.memory_space<vmem>>
    %dma_start3A_101 = arith.constant 0 : i32
    %dma_start3A_102 = tpu.memref_slice %arg17[%add3A_97, %dma_start3A_101] : memref<10112x128xf32, #tpu.memory_space<vmem_shared>> -> memref<32x128xf32, #tpu.memory_space<vmem_shared>>
    %dma_start3A_103 = arith.constant 0 : i32
    %dma_start3A_104 = tpu.memref_slice %arg17[%add3A_97, %dma_start3A_103] : memref<10112x128xf32, #tpu.memory_space<vmem_shared>> -> memref<32x128xf32, #tpu.memory_space<vmem_shared>>
    %dma_start3A_105 = arith.constant 0 : i32
    %dma_start3A_106 = arith.constant 0 : i32
    %dma_start3A_107 = tpu.memref_slice %arg10[%dma_start3A_105, %dma_start3A_106] : memref<128x128xf32, #tpu.memory_space<vmem>> -> memref<32x128xf32, #tpu.memory_space<vmem>>
    tpu.enqueue_dma source(%dma_start3A_107 : memref<32x128xf32, #tpu.memory_space<vmem>>) target(%dma_start3A_104 : memref<32x128xf32, #tpu.memory_space<vmem_shared>>) target_semaphore(%arg16 : memref<!tpu.dma_semaphore, #tpu.memory_space<semaphore_mem>>)
    %add3A_108 = arith.constant 160 : i32
    %add3A_109 = arith.addi %mul3A_47, %add3A_108 : i32
    %dma_start3A_110 = arith.constant 0 : i32
    %dma_start3A_111 = arith.constant 0 : i32
    %dma_start3A_112 = tpu.memref_slice %arg10[%dma_start3A_110, %dma_start3A_111] : memref<128x128xf32, #tpu.memory_space<vmem>> -> memref<32x128xf32, #tpu.memory_space<vmem>>
    %dma_start3A_113 = arith.constant 0 : i32
    %dma_start3A_114 = tpu.memref_slice %arg17[%add3A_109, %dma_start3A_113] : memref<10112x128xf32, #tpu.memory_space<vmem_shared>> -> memref<32x128xf32, #tpu.memory_space<vmem_shared>>
    %dma_start3A_115 = arith.constant 0 : i32
    %dma_start3A_116 = tpu.memref_slice %arg17[%add3A_109, %dma_start3A_115] : memref<10112x128xf32, #tpu.memory_space<vmem_shared>> -> memref<32x128xf32, #tpu.memory_space<vmem_shared>>
    %dma_start3A_117 = arith.constant 0 : i32
    %dma_start3A_118 = arith.constant 0 : i32
    %dma_start3A_119 = tpu.memref_slice %arg10[%dma_start3A_117, %dma_start3A_118] : memref<128x128xf32, #tpu.memory_space<vmem>> -> memref<32x128xf32, #tpu.memory_space<vmem>>
    tpu.enqueue_dma source(%dma_start3A_119 : memref<32x128xf32, #tpu.memory_space<vmem>>) target(%dma_start3A_116 : memref<32x128xf32, #tpu.memory_space<vmem_shared>>) target_semaphore(%arg16 : memref<!tpu.dma_semaphore, #tpu.memory_space<semaphore_mem>>)
    %add3A_120 = arith.constant 192 : i32
    %add3A_121 = arith.addi %mul3A_47, %add3A_120 : i32
    %dma_start3A_122 = arith.constant 0 : i32
    %dma_start3A_123 = arith.constant 0 : i32
    %dma_start3A_124 = tpu.memref_slice %arg10[%dma_start3A_122, %dma_start3A_123] : memref<128x128xf32, #tpu.memory_space<vmem>> -> memref<32x128xf32, #tpu.memory_space<vmem>>
    %dma_start3A_125 = arith.constant 0 : i32
    %dma_start3A_126 = tpu.memref_slice %arg17[%add3A_121, %dma_start3A_125] : memref<10112x128xf32, #tpu.memory_space<vmem_shared>> -> memref<32x128xf32, #tpu.memory_space<vmem_shared>>
    %dma_start3A_127 = arith.constant 0 : i32
    %dma_start3A_128 = tpu.memref_slice %arg17[%add3A_121, %dma_start3A_127] : memref<10112x128xf32, #tpu.memory_space<vmem_shared>> -> memref<32x128xf32, #tpu.memory_space<vmem_shared>>
    %dma_start3A_129 = arith.constant 0 : i32
    %dma_start3A_130 = arith.constant 0 : i32
    %dma_start3A_131 = tpu.memref_slice %arg10[%dma_start3A_129, %dma_start3A_130] : memref<128x128xf32, #tpu.memory_space<vmem>> -> memref<32x128xf32, #tpu.memory_space<vmem>>
    tpu.enqueue_dma source(%dma_start3A_131 : memref<32x128xf32, #tpu.memory_space<vmem>>) target(%dma_start3A_128 : memref<32x128xf32, #tpu.memory_space<vmem_shared>>) target_semaphore(%arg16 : memref<!tpu.dma_semaphore, #tpu.memory_space<semaphore_mem>>)
    %add3A_132 = arith.constant 224 : i32
    %add3A_133 = arith.addi %mul3A_47, %add3A_132 : i32
    %dma_start3A_134 = arith.constant 0 : i32
    %dma_start3A_135 = arith.constant 0 : i32
    %dma_start3A_136 = tpu.memref_slice %arg10[%dma_start3A_134, %dma_start3A_135] : memref<128x128xf32, #tpu.memory_space<vmem>> -> memref<32x128xf32, #tpu.memory_space<vmem>>
    %dma_start3A_137 = arith.constant 0 : i32
    %dma_start3A_138 = tpu.memref_slice %arg17[%add3A_133, %dma_start3A_137] : memref<10112x128xf32, #tpu.memory_space<vmem_shared>> -> memref<32x128xf32, #tpu.memory_space<vmem_shared>>
    %dma_start3A_139 = arith.constant 0 : i32
    %dma_start3A_140 = tpu.memref_slice %arg17[%add3A_133, %dma_start3A_139] : memref<10112x128xf32, #tpu.memory_space<vmem_shared>> -> memref<32x128xf32, #tpu.memory_space<vmem_shared>>
    %dma_start3A_141 = arith.constant 0 : i32
    %dma_start3A_142 = arith.constant 0 : i32
    %dma_start3A_143 = tpu.memref_slice %arg10[%dma_start3A_141, %dma_start3A_142] : memref<128x128xf32, #tpu.memory_space<vmem>> -> memref<32x128xf32, #tpu.memory_space<vmem>>
    tpu.enqueue_dma source(%dma_start3A_143 : memref<32x128xf32, #tpu.memory_space<vmem>>) target(%dma_start3A_140 : memref<32x128xf32, #tpu.memory_space<vmem_shared>>) target_semaphore(%arg16 : memref<!tpu.dma_semaphore, #tpu.memory_space<semaphore_mem>>)
    %add3A_144 = arith.constant 256 : i32
    %add3A_145 = arith.addi %mul3A_47, %add3A_144 : i32
    %dma_start3A_146 = arith.constant 0 : i32
    %dma_start3A_147 = arith.constant 0 : i32
    %dma_start3A_148 = tpu.memref_slice %arg10[%dma_start3A_146, %dma_start3A_147] : memref<128x128xf32, #tpu.memory_space<vmem>> -> memref<32x128xf32, #tpu.memory_space<vmem>>
    %dma_start3A_149 = arith.constant 0 : i32
    %dma_start3A_150 = tpu.memref_slice %arg17[%add3A_145, %dma_start3A_149] : memref<10112x128xf32, #tpu.memory_space<vmem_shared>> -> memref<32x128xf32, #tpu.memory_space<vmem_shared>>
    %dma_start3A_151 = arith.constant 0 : i32
    %dma_start3A_152 = tpu.memref_slice %arg17[%add3A_145, %dma_start3A_151] : memref<10112x128xf32, #tpu.memory_space<vmem_shared>> -> memref<32x128xf32, #tpu.memory_space<vmem_shared>>
    %dma_start3A_153 = arith.constant 0 : i32
    %dma_start3A_154 = arith.constant 0 : i32
    %dma_start3A_155 = tpu.memref_slice %arg10[%dma_start3A_153, %dma_start3A_154] : memref<128x128xf32, #tpu.memory_space<vmem>> -> memref<32x128xf32, #tpu.memory_space<vmem>>
    tpu.enqueue_dma source(%dma_start3A_155 : memref<32x128xf32, #tpu.memory_space<vmem>>) target(%dma_start3A_152 : memref<32x128xf32, #tpu.memory_space<vmem_shared>>) target_semaphore(%arg16 : memref<!tpu.dma_semaphore, #tpu.memory_space<semaphore_mem>>)
    %add3A_156 = arith.constant 288 : i32
    %add3A_157 = arith.addi %mul3A_47, %add3A_156 : i32
    %dma_start3A_158 = arith.constant 0 : i32
    %dma_start3A_159 = arith.constant 0 : i32
    %dma_start3A_160 = tpu.memref_slice %arg10[%dma_start3A_158, %dma_start3A_159] : memref<128x128xf32, #tpu.memory_space<vmem>> -> memref<32x128xf32, #tpu.memory_space<vmem>>
    %dma_start3A_161 = arith.constant 0 : i32
    %dma_start3A_162 = tpu.memref_slice %arg17[%add3A_157, %dma_start3A_161] : memref<10112x128xf32, #tpu.memory_space<vmem_shared>> -> memref<32x128xf32, #tpu.memory_space<vmem_shared>>
    %dma_start3A_163 = arith.constant 0 : i32
    %dma_start3A_164 = tpu.memref_slice %arg17[%add3A_157, %dma_start3A_163] : memref<10112x128xf32, #tpu.memory_space<vmem_shared>> -> memref<32x128xf32, #tpu.memory_space<vmem_shared>>
    %dma_start3A_165 = arith.constant 0 : i32
    %dma_start3A_166 = arith.constant 0 : i32
    %dma_start3A_167 = tpu.memref_slice %arg10[%dma_start3A_165, %dma_start3A_166] : memref<128x128xf32, #tpu.memory_space<vmem>> -> memref<32x128xf32, #tpu.memory_space<vmem>>
    tpu.enqueue_dma source(%dma_start3A_167 : memref<32x128xf32, #tpu.memory_space<vmem>>) target(%dma_start3A_164 : memref<32x128xf32, #tpu.memory_space<vmem_shared>>) target_semaphore(%arg16 : memref<!tpu.dma_semaphore, #tpu.memory_space<semaphore_mem>>)
    %add3A_168 = arith.constant 320 : i32
    %add3A_169 = arith.addi %mul3A_47, %add3A_168 : i32
    %dma_start3A_170 = arith.constant 0 : i32
    %dma_start3A_171 = arith.constant 0 : i32
    %dma_start3A_172 = tpu.memref_slice %arg10[%dma_start3A_170, %dma_start3A_171] : memref<128x128xf32, #tpu.memory_space<vmem>> -> memref<32x128xf32, #tpu.memory_space<vmem>>
    %dma_start3A_173 = arith.constant 0 : i32
    %dma_start3A_174 = tpu.memref_slice %arg17[%add3A_169, %dma_start3A_173] : memref<10112x128xf32, #tpu.memory_space<vmem_shared>> -> memref<32x128xf32, #tpu.memory_space<vmem_shared>>
    %dma_start3A_175 = arith.constant 0 : i32
    %dma_start3A_176 = tpu.memref_slice %arg17[%add3A_169, %dma_start3A_175] : memref<10112x128xf32, #tpu.memory_space<vmem_shared>> -> memref<32x128xf32, #tpu.memory_space<vmem_shared>>
    %dma_start3A_177 = arith.constant 0 : i32
    %dma_start3A_178 = arith.constant 0 : i32
    %dma_start3A_179 = tpu.memref_slice %arg10[%dma_start3A_177, %dma_start3A_178] : memref<128x128xf32, #tpu.memory_space<vmem>> -> memref<32x128xf32, #tpu.memory_space<vmem>>
    tpu.enqueue_dma source(%dma_start3A_179 : memref<32x128xf32, #tpu.memory_space<vmem>>) target(%dma_start3A_176 : memref<32x128xf32, #tpu.memory_space<vmem_shared>>) target_semaphore(%arg16 : memref<!tpu.dma_semaphore, #tpu.memory_space<semaphore_mem>>)
    %add3A_180 = arith.constant 352 : i32
    %add3A_181 = arith.addi %mul3A_47, %add3A_180 : i32
    %dma_start3A_182 = arith.constant 0 : i32
    %dma_start3A_183 = arith.constant 0 : i32
    %dma_start3A_184 = tpu.memref_slice %arg10[%dma_start3A_182, %dma_start3A_183] : memref<128x128xf32, #tpu.memory_space<vmem>> -> memref<32x128xf32, #tpu.memory_space<vmem>>
    %dma_start3A_185 = arith.constant 0 : i32
    %dma_start3A_186 = tpu.memref_slice %arg17[%add3A_181, %dma_start3A_185] : memref<10112x128xf32, #tpu.memory_space<vmem_shared>> -> memref<32x128xf32, #tpu.memory_space<vmem_shared>>
    %dma_start3A_187 = arith.constant 0 : i32
    %dma_start3A_188 = tpu.memref_slice %arg17[%add3A_181, %dma_start3A_187] : memref<10112x128xf32, #tpu.memory_space<vmem_shared>> -> memref<32x128xf32, #tpu.memory_space<vmem_shared>>
    %dma_start3A_189 = arith.constant 0 : i32
    %dma_start3A_190 = arith.constant 0 : i32
    %dma_start3A_191 = tpu.memref_slice %arg10[%dma_start3A_189, %dma_start3A_190] : memref<128x128xf32, #tpu.memory_space<vmem>> -> memref<32x128xf32, #tpu.memory_space<vmem>>
    tpu.enqueue_dma source(%dma_start3A_191 : memref<32x128xf32, #tpu.memory_space<vmem>>) target(%dma_start3A_188 : memref<32x128xf32, #tpu.memory_space<vmem_shared>>) target_semaphore(%arg16 : memref<!tpu.dma_semaphore, #tpu.memory_space<semaphore_mem>>)
    %add3A_192 = arith.constant 384 : i32
    %add3A_193 = arith.addi %mul3A_47, %add3A_192 : i32
    %dma_start3A_194 = arith.constant 0 : i32
    %dma_start3A_195 = arith.constant 0 : i32
    %dma_start3A_196 = tpu.memref_slice %arg10[%dma_start3A_194, %dma_start3A_195] : memref<128x128xf32, #tpu.memory_space<vmem>> -> memref<32x128xf32, #tpu.memory_space<vmem>>
    %dma_start3A_197 = arith.constant 0 : i32
    %dma_start3A_198 = tpu.memref_slice %arg17[%add3A_193, %dma_start3A_197] : memref<10112x128xf32, #tpu.memory_space<vmem_shared>> -> memref<32x128xf32, #tpu.memory_space<vmem_shared>>
    %dma_start3A_199 = arith.constant 0 : i32
    %dma_start3A_200 = tpu.memref_slice %arg17[%add3A_193, %dma_start3A_199] : memref<10112x128xf32, #tpu.memory_space<vmem_shared>> -> memref<32x128xf32, #tpu.memory_space<vmem_shared>>
    %dma_start3A_201 = arith.constant 0 : i32
    %dma_start3A_202 = arith.constant 0 : i32
    %dma_start3A_203 = tpu.memref_slice %arg10[%dma_start3A_201, %dma_start3A_202] : memref<128x128xf32, #tpu.memory_space<vmem>> -> memref<32x128xf32, #tpu.memory_space<vmem>>
    tpu.enqueue_dma source(%dma_start3A_203 : memref<32x128xf32, #tpu.memory_space<vmem>>) target(%dma_start3A_200 : memref<32x128xf32, #tpu.memory_space<vmem_shared>>) target_semaphore(%arg16 : memref<!tpu.dma_semaphore, #tpu.memory_space<semaphore_mem>>)
    %add3A_204 = arith.constant 416 : i32
    %add3A_205 = arith.addi %mul3A_47, %add3A_204 : i32
    %dma_start3A_206 = arith.constant 0 : i32
    %dma_start3A_207 = arith.constant 0 : i32
    %dma_start3A_208 = tpu.memref_slice %arg10[%dma_start3A_206, %dma_start3A_207] : memref<128x128xf32, #tpu.memory_space<vmem>> -> memref<32x128xf32, #tpu.memory_space<vmem>>
    %dma_start3A_209 = arith.constant 0 : i32
    %dma_start3A_210 = tpu.memref_slice %arg17[%add3A_205, %dma_start3A_209] : memref<10112x128xf32, #tpu.memory_space<vmem_shared>> -> memref<32x128xf32, #tpu.memory_space<vmem_shared>>
    %dma_start3A_211 = arith.constant 0 : i32
    %dma_start3A_212 = tpu.memref_slice %arg17[%add3A_205, %dma_start3A_211] : memref<10112x128xf32, #tpu.memory_space<vmem_shared>> -> memref<32x128xf32, #tpu.memory_space<vmem_shared>>
    %dma_start3A_213 = arith.constant 0 : i32
    %dma_start3A_214 = arith.constant 0 : i32
    %dma_start3A_215 = tpu.memref_slice %arg10[%dma_start3A_213, %dma_start3A_214] : memref<128x128xf32, #tpu.memory_space<vmem>> -> memref<32x128xf32, #tpu.memory_space<vmem>>
    tpu.enqueue_dma source(%dma_start3A_215 : memref<32x128xf32, #tpu.memory_space<vmem>>) target(%dma_start3A_212 : memref<32x128xf32, #tpu.memory_space<vmem_shared>>) target_semaphore(%arg16 : memref<!tpu.dma_semaphore, #tpu.memory_space<semaphore_mem>>)
    %add3A_216 = arith.constant 448 : i32
    %add3A_217 = arith.addi %mul3A_47, %add3A_216 : i32
    %dma_start3A_218 = arith.constant 0 : i32
    %dma_start3A_219 = arith.constant 0 : i32
    %dma_start3A_220 = tpu.memref_slice %arg10[%dma_start3A_218, %dma_start3A_219] : memref<128x128xf32, #tpu.memory_space<vmem>> -> memref<32x128xf32, #tpu.memory_space<vmem>>
    %dma_start3A_221 = arith.constant 0 : i32
    %dma_start3A_222 = tpu.memref_slice %arg17[%add3A_217, %dma_start3A_221] : memref<10112x128xf32, #tpu.memory_space<vmem_shared>> -> memref<32x128xf32, #tpu.memory_space<vmem_shared>>
    %dma_start3A_223 = arith.constant 0 : i32
    %dma_start3A_224 = tpu.memref_slice %arg17[%add3A_217, %dma_start3A_223] : memref<10112x128xf32, #tpu.memory_space<vmem_shared>> -> memref<32x128xf32, #tpu.memory_space<vmem_shared>>
    %dma_start3A_225 = arith.constant 0 : i32
    %dma_start3A_226 = arith.constant 0 : i32
    %dma_start3A_227 = tpu.memref_slice %arg10[%dma_start3A_225, %dma_start3A_226] : memref<128x128xf32, #tpu.memory_space<vmem>> -> memref<32x128xf32, #tpu.memory_space<vmem>>
    tpu.enqueue_dma source(%dma_start3A_227 : memref<32x128xf32, #tpu.memory_space<vmem>>) target(%dma_start3A_224 : memref<32x128xf32, #tpu.memory_space<vmem_shared>>) target_semaphore(%arg16 : memref<!tpu.dma_semaphore, #tpu.memory_space<semaphore_mem>>)
    %add3A_228 = arith.constant 480 : i32
    %add3A_229 = arith.addi %mul3A_47, %add3A_228 : i32
    %dma_start3A_230 = arith.constant 0 : i32
    %dma_start3A_231 = arith.constant 0 : i32
    %dma_start3A_232 = tpu.memref_slice %arg10[%dma_start3A_230, %dma_start3A_231] : memref<128x128xf32, #tpu.memory_space<vmem>> -> memref<32x128xf32, #tpu.memory_space<vmem>>
    %dma_start3A_233 = arith.constant 0 : i32
    %dma_start3A_234 = tpu.memref_slice %arg17[%add3A_229, %dma_start3A_233] : memref<10112x128xf32, #tpu.memory_space<vmem_shared>> -> memref<32x128xf32, #tpu.memory_space<vmem_shared>>
    %dma_start3A_235 = arith.constant 0 : i32
    %dma_start3A_236 = tpu.memref_slice %arg17[%add3A_229, %dma_start3A_235] : memref<10112x128xf32, #tpu.memory_space<vmem_shared>> -> memref<32x128xf32, #tpu.memory_space<vmem_shared>>
    %dma_start3A_237 = arith.constant 0 : i32
    %dma_start3A_238 = arith.constant 0 : i32
    %dma_start3A_239 = tpu.memref_slice %arg10[%dma_start3A_237, %dma_start3A_238] : memref<128x128xf32, #tpu.memory_space<vmem>> -> memref<32x128xf32, #tpu.memory_space<vmem>>
    tpu.enqueue_dma source(%dma_start3A_239 : memref<32x128xf32, #tpu.memory_space<vmem>>) target(%dma_start3A_236 : memref<32x128xf32, #tpu.memory_space<vmem_shared>>) target_semaphore(%arg16 : memref<!tpu.dma_semaphore, #tpu.memory_space<semaphore_mem>>)
    %add3A_240 = arith.constant 512 : i32
    %add3A_241 = arith.addi %mul3A_47, %add3A_240 : i32
    %dma_start3A_242 = arith.constant 0 : i32
    %dma_start3A_243 = arith.constant 0 : i32
    %dma_start3A_244 = tpu.memref_slice %arg10[%dma_start3A_242, %dma_start3A_243] : memref<128x128xf32, #tpu.memory_space<vmem>> -> memref<32x128xf32, #tpu.memory_space<vmem>>
    %dma_start3A_245 = arith.constant 0 : i32
    %dma_start3A_246 = tpu.memref_slice %arg17[%add3A_241, %dma_start3A_245] : memref<10112x128xf32, #tpu.memory_space<vmem_shared>> -> memref<32x128xf32, #tpu.memory_space<vmem_shared>>
    %dma_start3A_247 = arith.constant 0 : i32
    %dma_start3A_248 = tpu.memref_slice %arg17[%add3A_241, %dma_start3A_247] : memref<10112x128xf32, #tpu.memory_space<vmem_shared>> -> memref<32x128xf32, #tpu.memory_space<vmem_shared>>
    %dma_start3A_249 = arith.constant 0 : i32
    %dma_start3A_250 = arith.constant 0 : i32
    %dma_start3A_251 = tpu.memref_slice %arg10[%dma_start3A_249, %dma_start3A_250] : memref<128x128xf32, #tpu.memory_space<vmem>> -> memref<32x128xf32, #tpu.memory_space<vmem>>
    tpu.enqueue_dma source(%dma_start3A_251 : memref<32x128xf32, #tpu.memory_space<vmem>>) target(%dma_start3A_248 : memref<32x128xf32, #tpu.memory_space<vmem_shared>>) target_semaphore(%arg16 : memref<!tpu.dma_semaphore, #tpu.memory_space<semaphore_mem>>)
    %add3A_252 = arith.constant 544 : i32
    %add3A_253 = arith.addi %mul3A_47, %add3A_252 : i32
    %dma_start3A_254 = arith.constant 0 : i32
    %dma_start3A_255 = arith.constant 0 : i32
    %dma_start3A_256 = tpu.memref_slice %arg10[%dma_start3A_254, %dma_start3A_255] : memref<128x128xf32, #tpu.memory_space<vmem>> -> memref<32x128xf32, #tpu.memory_space<vmem>>
    %dma_start3A_257 = arith.constant 0 : i32
    %dma_start3A_258 = tpu.memref_slice %arg17[%add3A_253, %dma_start3A_257] : memref<10112x128xf32, #tpu.memory_space<vmem_shared>> -> memref<32x128xf32, #tpu.memory_space<vmem_shared>>
    %dma_start3A_259 = arith.constant 0 : i32
    %dma_start3A_260 = tpu.memref_slice %arg17[%add3A_253, %dma_start3A_259] : memref<10112x128xf32, #tpu.memory_space<vmem_shared>> -> memref<32x128xf32, #tpu.memory_space<vmem_shared>>
    %dma_start3A_261 = arith.constant 0 : i32
    %dma_start3A_262 = arith.constant 0 : i32
    %dma_start3A_263 = tpu.memref_slice %arg10[%dma_start3A_261, %dma_start3A_262] : memref<128x128xf32, #tpu.memory_space<vmem>> -> memref<32x128xf32, #tpu.memory_space<vmem>>
    tpu.enqueue_dma source(%dma_start3A_263 : memref<32x128xf32, #tpu.memory_space<vmem>>) target(%dma_start3A_260 : memref<32x128xf32, #tpu.memory_space<vmem_shared>>) target_semaphore(%arg16 : memref<!tpu.dma_semaphore, #tpu.memory_space<semaphore_mem>>)
    %add3A_264 = arith.constant 576 : i32
    %add3A_265 = arith.addi %mul3A_47, %add3A_264 : i32
    %dma_start3A_266 = arith.constant 0 : i32
    %dma_start3A_267 = arith.constant 0 : i32
    %dma_start3A_268 = tpu.memref_slice %arg10[%dma_start3A_266, %dma_start3A_267] : memref<128x128xf32, #tpu.memory_space<vmem>> -> memref<32x128xf32, #tpu.memory_space<vmem>>
    %dma_start3A_269 = arith.constant 0 : i32
    %dma_start3A_270 = tpu.memref_slice %arg17[%add3A_265, %dma_start3A_269] : memref<10112x128xf32, #tpu.memory_space<vmem_shared>> -> memref<32x128xf32, #tpu.memory_space<vmem_shared>>
    %dma_start3A_271 = arith.constant 0 : i32
    %dma_start3A_272 = tpu.memref_slice %arg17[%add3A_265, %dma_start3A_271] : memref<10112x128xf32, #tpu.memory_space<vmem_shared>> -> memref<32x128xf32, #tpu.memory_space<vmem_shared>>
    %dma_start3A_273 = arith.constant 0 : i32
    %dma_start3A_274 = arith.constant 0 : i32
    %dma_start3A_275 = tpu.memref_slice %arg10[%dma_start3A_273, %dma_start3A_274] : memref<128x128xf32, #tpu.memory_space<vmem>> -> memref<32x128xf32, #tpu.memory_space<vmem>>
    tpu.enqueue_dma source(%dma_start3A_275 : memref<32x128xf32, #tpu.memory_space<vmem>>) target(%dma_start3A_272 : memref<32x128xf32, #tpu.memory_space<vmem_shared>>) target_semaphore(%arg16 : memref<!tpu.dma_semaphore, #tpu.memory_space<semaphore_mem>>)
    %add3A_276 = arith.constant 608 : i32
    %add3A_277 = arith.addi %mul3A_47, %add3A_276 : i32
    %dma_start3A_278 = arith.constant 0 : i32
    %dma_start3A_279 = arith.constant 0 : i32
    %dma_start3A_280 = tpu.memref_slice %arg10[%dma_start3A_278, %dma_start3A_279] : memref<128x128xf32, #tpu.memory_space<vmem>> -> memref<24x128xf32, #tpu.memory_space<vmem>>
    %dma_start3A_281 = arith.constant 0 : i32
    %dma_start3A_282 = tpu.memref_slice %arg17[%add3A_277, %dma_start3A_281] : memref<10112x128xf32, #tpu.memory_space<vmem_shared>> -> memref<24x128xf32, #tpu.memory_space<vmem_shared>>
    %dma_start3A_283 = arith.constant 0 : i32
    %dma_start3A_284 = tpu.memref_slice %arg17[%add3A_277, %dma_start3A_283] : memref<10112x128xf32, #tpu.memory_space<vmem_shared>> -> memref<24x128xf32, #tpu.memory_space<vmem_shared>>
    %dma_start3A_285 = arith.constant 0 : i32
    %dma_start3A_286 = arith.constant 0 : i32
    %dma_start3A_287 = tpu.memref_slice %arg10[%dma_start3A_285, %dma_start3A_286] : memref<128x128xf32, #tpu.memory_space<vmem>> -> memref<24x128xf32, #tpu.memory_space<vmem>>
    tpu.enqueue_dma source(%dma_start3A_287 : memref<24x128xf32, #tpu.memory_space<vmem>>) target(%dma_start3A_284 : memref<24x128xf32, #tpu.memory_space<vmem_shared>>) target_semaphore(%arg16 : memref<!tpu.dma_semaphore, #tpu.memory_space<semaphore_mem>>)
    %add3A_288 = arith.constant 0 : i32
    %add3A_289 = arith.addi %mul3A_47, %add3A_288 : i32
    %dma_wait3A = arith.constant 0 : i32
    %dma_wait3A_290 = arith.constant 0 : i32
    %dma_wait3A_291 = tpu.memref_slice %arg10[%dma_wait3A, %dma_wait3A_290] : memref<128x128xf32, #tpu.memory_space<vmem>> -> memref<32x128xf32, #tpu.memory_space<vmem>>
    %dma_wait3A_292 = arith.constant 0 : i32
    %dma_wait3A_293 = tpu.memref_slice %arg17[%add3A_289, %dma_wait3A_292] : memref<10112x128xf32, #tpu.memory_space<vmem_shared>> -> memref<32x128xf32, #tpu.memory_space<vmem_shared>>
    %dma_wait3A_294 = arith.constant 0 : i32
    %dma_wait3A_295 = tpu.memref_slice %arg17[%add3A_289, %dma_wait3A_294] : memref<10112x128xf32, #tpu.memory_space<vmem_shared>> -> memref<32x128xf32, #tpu.memory_space<vmem_shared>>
    %dma_wait3A_296 = arith.constant 0 : i32
    %dma_wait3A_297 = arith.constant 0 : i32
    %dma_wait3A_298 = tpu.memref_slice %arg10[%dma_wait3A_296, %dma_wait3A_297] : memref<128x128xf32, #tpu.memory_space<vmem>> -> memref<32x128xf32, #tpu.memory_space<vmem>>
    tpu.wait_dma2 semaphore(%arg16 : memref<!tpu.dma_semaphore, #tpu.memory_space<semaphore_mem>>) src(%dma_wait3A_298 : memref<32x128xf32, #tpu.memory_space<vmem>>) dst(%dma_wait3A_295 : memref<32x128xf32, #tpu.memory_space<vmem_shared>>)
    %add3A_299 = arith.constant 32 : i32
    %add3A_300 = arith.addi %mul3A_47, %add3A_299 : i32
    %dma_wait3A_301 = arith.constant 0 : i32
    %dma_wait3A_302 = arith.constant 0 : i32
    %dma_wait3A_303 = tpu.memref_slice %arg10[%dma_wait3A_301, %dma_wait3A_302] : memref<128x128xf32, #tpu.memory_space<vmem>> -> memref<32x128xf32, #tpu.memory_space<vmem>>
    %dma_wait3A_304 = arith.constant 0 : i32
    %dma_wait3A_305 = tpu.memref_slice %arg17[%add3A_300, %dma_wait3A_304] : memref<10112x128xf32, #tpu.memory_space<vmem_shared>> -> memref<32x128xf32, #tpu.memory_space<vmem_shared>>
    %dma_wait3A_306 = arith.constant 0 : i32
    %dma_wait3A_307 = tpu.memref_slice %arg17[%add3A_300, %dma_wait3A_306] : memref<10112x128xf32, #tpu.memory_space<vmem_shared>> -> memref<32x128xf32, #tpu.memory_space<vmem_shared>>
    %dma_wait3A_308 = arith.constant 0 : i32
    %dma_wait3A_309 = arith.constant 0 : i32
    %dma_wait3A_310 = tpu.memref_slice %arg10[%dma_wait3A_308, %dma_wait3A_309] : memref<128x128xf32, #tpu.memory_space<vmem>> -> memref<32x128xf32, #tpu.memory_space<vmem>>
    tpu.wait_dma2 semaphore(%arg16 : memref<!tpu.dma_semaphore, #tpu.memory_space<semaphore_mem>>) src(%dma_wait3A_310 : memref<32x128xf32, #tpu.memory_space<vmem>>) dst(%dma_wait3A_307 : memref<32x128xf32, #tpu.memory_space<vmem_shared>>)
    %add3A_311 = arith.constant 64 : i32
    %add3A_312 = arith.addi %mul3A_47, %add3A_311 : i32
    %dma_wait3A_313 = arith.constant 0 : i32
    %dma_wait3A_314 = arith.constant 0 : i32
    %dma_wait3A_315 = tpu.memref_slice %arg10[%dma_wait3A_313, %dma_wait3A_314] : memref<128x128xf32, #tpu.memory_space<vmem>> -> memref<32x128xf32, #tpu.memory_space<vmem>>
    %dma_wait3A_316 = arith.constant 0 : i32
    %dma_wait3A_317 = tpu.memref_slice %arg17[%add3A_312, %dma_wait3A_316] : memref<10112x128xf32, #tpu.memory_space<vmem_shared>> -> memref<32x128xf32, #tpu.memory_space<vmem_shared>>
    %dma_wait3A_318 = arith.constant 0 : i32
    %dma_wait3A_319 = tpu.memref_slice %arg17[%add3A_312, %dma_wait3A_318] : memref<10112x128xf32, #tpu.memory_space<vmem_shared>> -> memref<32x128xf32, #tpu.memory_space<vmem_shared>>
    %dma_wait3A_320 = arith.constant 0 : i32
    %dma_wait3A_321 = arith.constant 0 : i32
    %dma_wait3A_322 = tpu.memref_slice %arg10[%dma_wait3A_320, %dma_wait3A_321] : memref<128x128xf32, #tpu.memory_space<vmem>> -> memref<32x128xf32, #tpu.memory_space<vmem>>
    tpu.wait_dma2 semaphore(%arg16 : memref<!tpu.dma_semaphore, #tpu.memory_space<semaphore_mem>>) src(%dma_wait3A_322 : memref<32x128xf32, #tpu.memory_space<vmem>>) dst(%dma_wait3A_319 : memref<32x128xf32, #tpu.memory_space<vmem_shared>>)
    %add3A_323 = arith.constant 96 : i32
    %add3A_324 = arith.addi %mul3A_47, %add3A_323 : i32
    %dma_wait3A_325 = arith.constant 0 : i32
    %dma_wait3A_326 = arith.constant 0 : i32
    %dma_wait3A_327 = tpu.memref_slice %arg10[%dma_wait3A_325, %dma_wait3A_326] : memref<128x128xf32, #tpu.memory_space<vmem>> -> memref<32x128xf32, #tpu.memory_space<vmem>>
    %dma_wait3A_328 = arith.constant 0 : i32
    %dma_wait3A_329 = tpu.memref_slice %arg17[%add3A_324, %dma_wait3A_328] : memref<10112x128xf32, #tpu.memory_space<vmem_shared>> -> memref<32x128xf32, #tpu.memory_space<vmem_shared>>
    %dma_wait3A_330 = arith.constant 0 : i32
    %dma_wait3A_331 = tpu.memref_slice %arg17[%add3A_324, %dma_wait3A_330] : memref<10112x128xf32, #tpu.memory_space<vmem_shared>> -> memref<32x128xf32, #tpu.memory_space<vmem_shared>>
    %dma_wait3A_332 = arith.constant 0 : i32
    %dma_wait3A_333 = arith.constant 0 : i32
    %dma_wait3A_334 = tpu.memref_slice %arg10[%dma_wait3A_332, %dma_wait3A_333] : memref<128x128xf32, #tpu.memory_space<vmem>> -> memref<32x128xf32, #tpu.memory_space<vmem>>
    tpu.wait_dma2 semaphore(%arg16 : memref<!tpu.dma_semaphore, #tpu.memory_space<semaphore_mem>>) src(%dma_wait3A_334 : memref<32x128xf32, #tpu.memory_space<vmem>>) dst(%dma_wait3A_331 : memref<32x128xf32, #tpu.memory_space<vmem_shared>>)
    %add3A_335 = arith.constant 128 : i32
    %add3A_336 = arith.addi %mul3A_47, %add3A_335 : i32
    %dma_wait3A_337 = arith.constant 0 : i32
    %dma_wait3A_338 = arith.constant 0 : i32
    %dma_wait3A_339 = tpu.memref_slice %arg10[%dma_wait3A_337, %dma_wait3A_338] : memref<128x128xf32, #tpu.memory_space<vmem>> -> memref<32x128xf32, #tpu.memory_space<vmem>>
    %dma_wait3A_340 = arith.constant 0 : i32
    %dma_wait3A_341 = tpu.memref_slice %arg17[%add3A_336, %dma_wait3A_340] : memref<10112x128xf32, #tpu.memory_space<vmem_shared>> -> memref<32x128xf32, #tpu.memory_space<vmem_shared>>
    %dma_wait3A_342 = arith.constant 0 : i32
    %dma_wait3A_343 = tpu.memref_slice %arg17[%add3A_336, %dma_wait3A_342] : memref<10112x128xf32, #tpu.memory_space<vmem_shared>> -> memref<32x128xf32, #tpu.memory_space<vmem_shared>>
    %dma_wait3A_344 = arith.constant 0 : i32
    %dma_wait3A_345 = arith.constant 0 : i32
    %dma_wait3A_346 = tpu.memref_slice %arg10[%dma_wait3A_344, %dma_wait3A_345] : memref<128x128xf32, #tpu.memory_space<vmem>> -> memref<32x128xf32, #tpu.memory_space<vmem>>
    tpu.wait_dma2 semaphore(%arg16 : memref<!tpu.dma_semaphore, #tpu.memory_space<semaphore_mem>>) src(%dma_wait3A_346 : memref<32x128xf32, #tpu.memory_space<vmem>>) dst(%dma_wait3A_343 : memref<32x128xf32, #tpu.memory_space<vmem_shared>>)
    %add3A_347 = arith.constant 160 : i32
    %add3A_348 = arith.addi %mul3A_47, %add3A_347 : i32
    %dma_wait3A_349 = arith.constant 0 : i32
    %dma_wait3A_350 = arith.constant 0 : i32
    %dma_wait3A_351 = tpu.memref_slice %arg10[%dma_wait3A_349, %dma_wait3A_350] : memref<128x128xf32, #tpu.memory_space<vmem>> -> memref<32x128xf32, #tpu.memory_space<vmem>>
    %dma_wait3A_352 = arith.constant 0 : i32
    %dma_wait3A_353 = tpu.memref_slice %arg17[%add3A_348, %dma_wait3A_352] : memref<10112x128xf32, #tpu.memory_space<vmem_shared>> -> memref<32x128xf32, #tpu.memory_space<vmem_shared>>
    %dma_wait3A_354 = arith.constant 0 : i32
    %dma_wait3A_355 = tpu.memref_slice %arg17[%add3A_348, %dma_wait3A_354] : memref<10112x128xf32, #tpu.memory_space<vmem_shared>> -> memref<32x128xf32, #tpu.memory_space<vmem_shared>>
    %dma_wait3A_356 = arith.constant 0 : i32
    %dma_wait3A_357 = arith.constant 0 : i32
    %dma_wait3A_358 = tpu.memref_slice %arg10[%dma_wait3A_356, %dma_wait3A_357] : memref<128x128xf32, #tpu.memory_space<vmem>> -> memref<32x128xf32, #tpu.memory_space<vmem>>
    tpu.wait_dma2 semaphore(%arg16 : memref<!tpu.dma_semaphore, #tpu.memory_space<semaphore_mem>>) src(%dma_wait3A_358 : memref<32x128xf32, #tpu.memory_space<vmem>>) dst(%dma_wait3A_355 : memref<32x128xf32, #tpu.memory_space<vmem_shared>>)
    %add3A_359 = arith.constant 192 : i32
    %add3A_360 = arith.addi %mul3A_47, %add3A_359 : i32
    %dma_wait3A_361 = arith.constant 0 : i32
    %dma_wait3A_362 = arith.constant 0 : i32
    %dma_wait3A_363 = tpu.memref_slice %arg10[%dma_wait3A_361, %dma_wait3A_362] : memref<128x128xf32, #tpu.memory_space<vmem>> -> memref<32x128xf32, #tpu.memory_space<vmem>>
    %dma_wait3A_364 = arith.constant 0 : i32
    %dma_wait3A_365 = tpu.memref_slice %arg17[%add3A_360, %dma_wait3A_364] : memref<10112x128xf32, #tpu.memory_space<vmem_shared>> -> memref<32x128xf32, #tpu.memory_space<vmem_shared>>
    %dma_wait3A_366 = arith.constant 0 : i32
    %dma_wait3A_367 = tpu.memref_slice %arg17[%add3A_360, %dma_wait3A_366] : memref<10112x128xf32, #tpu.memory_space<vmem_shared>> -> memref<32x128xf32, #tpu.memory_space<vmem_shared>>
    %dma_wait3A_368 = arith.constant 0 : i32
    %dma_wait3A_369 = arith.constant 0 : i32
    %dma_wait3A_370 = tpu.memref_slice %arg10[%dma_wait3A_368, %dma_wait3A_369] : memref<128x128xf32, #tpu.memory_space<vmem>> -> memref<32x128xf32, #tpu.memory_space<vmem>>
    tpu.wait_dma2 semaphore(%arg16 : memref<!tpu.dma_semaphore, #tpu.memory_space<semaphore_mem>>) src(%dma_wait3A_370 : memref<32x128xf32, #tpu.memory_space<vmem>>) dst(%dma_wait3A_367 : memref<32x128xf32, #tpu.memory_space<vmem_shared>>)
    %add3A_371 = arith.constant 224 : i32
    %add3A_372 = arith.addi %mul3A_47, %add3A_371 : i32
    %dma_wait3A_373 = arith.constant 0 : i32
    %dma_wait3A_374 = arith.constant 0 : i32
    %dma_wait3A_375 = tpu.memref_slice %arg10[%dma_wait3A_373, %dma_wait3A_374] : memref<128x128xf32, #tpu.memory_space<vmem>> -> memref<32x128xf32, #tpu.memory_space<vmem>>
    %dma_wait3A_376 = arith.constant 0 : i32
    %dma_wait3A_377 = tpu.memref_slice %arg17[%add3A_372, %dma_wait3A_376] : memref<10112x128xf32, #tpu.memory_space<vmem_shared>> -> memref<32x128xf32, #tpu.memory_space<vmem_shared>>
    %dma_wait3A_378 = arith.constant 0 : i32
    %dma_wait3A_379 = tpu.memref_slice %arg17[%add3A_372, %dma_wait3A_378] : memref<10112x128xf32, #tpu.memory_space<vmem_shared>> -> memref<32x128xf32, #tpu.memory_space<vmem_shared>>
    %dma_wait3A_380 = arith.constant 0 : i32
    %dma_wait3A_381 = arith.constant 0 : i32
    %dma_wait3A_382 = tpu.memref_slice %arg10[%dma_wait3A_380, %dma_wait3A_381] : memref<128x128xf32, #tpu.memory_space<vmem>> -> memref<32x128xf32, #tpu.memory_space<vmem>>
    tpu.wait_dma2 semaphore(%arg16 : memref<!tpu.dma_semaphore, #tpu.memory_space<semaphore_mem>>) src(%dma_wait3A_382 : memref<32x128xf32, #tpu.memory_space<vmem>>) dst(%dma_wait3A_379 : memref<32x128xf32, #tpu.memory_space<vmem_shared>>)
    %add3A_383 = arith.constant 256 : i32
    %add3A_384 = arith.addi %mul3A_47, %add3A_383 : i32
    %dma_wait3A_385 = arith.constant 0 : i32
    %dma_wait3A_386 = arith.constant 0 : i32
    %dma_wait3A_387 = tpu.memref_slice %arg10[%dma_wait3A_385, %dma_wait3A_386] : memref<128x128xf32, #tpu.memory_space<vmem>> -> memref<32x128xf32, #tpu.memory_space<vmem>>
    %dma_wait3A_388 = arith.constant 0 : i32
    %dma_wait3A_389 = tpu.memref_slice %arg17[%add3A_384, %dma_wait3A_388] : memref<10112x128xf32, #tpu.memory_space<vmem_shared>> -> memref<32x128xf32, #tpu.memory_space<vmem_shared>>
    %dma_wait3A_390 = arith.constant 0 : i32
    %dma_wait3A_391 = tpu.memref_slice %arg17[%add3A_384, %dma_wait3A_390] : memref<10112x128xf32, #tpu.memory_space<vmem_shared>> -> memref<32x128xf32, #tpu.memory_space<vmem_shared>>
    %dma_wait3A_392 = arith.constant 0 : i32
    %dma_wait3A_393 = arith.constant 0 : i32
    %dma_wait3A_394 = tpu.memref_slice %arg10[%dma_wait3A_392, %dma_wait3A_393] : memref<128x128xf32, #tpu.memory_space<vmem>> -> memref<32x128xf32, #tpu.memory_space<vmem>>
    tpu.wait_dma2 semaphore(%arg16 : memref<!tpu.dma_semaphore, #tpu.memory_space<semaphore_mem>>) src(%dma_wait3A_394 : memref<32x128xf32, #tpu.memory_space<vmem>>) dst(%dma_wait3A_391 : memref<32x128xf32, #tpu.memory_space<vmem_shared>>)
    %add3A_395 = arith.constant 288 : i32
    %add3A_396 = arith.addi %mul3A_47, %add3A_395 : i32
    %dma_wait3A_397 = arith.constant 0 : i32
    %dma_wait3A_398 = arith.constant 0 : i32
    %dma_wait3A_399 = tpu.memref_slice %arg10[%dma_wait3A_397, %dma_wait3A_398] : memref<128x128xf32, #tpu.memory_space<vmem>> -> memref<32x128xf32, #tpu.memory_space<vmem>>
    %dma_wait3A_400 = arith.constant 0 : i32
    %dma_wait3A_401 = tpu.memref_slice %arg17[%add3A_396, %dma_wait3A_400] : memref<10112x128xf32, #tpu.memory_space<vmem_shared>> -> memref<32x128xf32, #tpu.memory_space<vmem_shared>>
    %dma_wait3A_402 = arith.constant 0 : i32
    %dma_wait3A_403 = tpu.memref_slice %arg17[%add3A_396, %dma_wait3A_402] : memref<10112x128xf32, #tpu.memory_space<vmem_shared>> -> memref<32x128xf32, #tpu.memory_space<vmem_shared>>
    %dma_wait3A_404 = arith.constant 0 : i32
    %dma_wait3A_405 = arith.constant 0 : i32
    %dma_wait3A_406 = tpu.memref_slice %arg10[%dma_wait3A_404, %dma_wait3A_405] : memref<128x128xf32, #tpu.memory_space<vmem>> -> memref<32x128xf32, #tpu.memory_space<vmem>>
    tpu.wait_dma2 semaphore(%arg16 : memref<!tpu.dma_semaphore, #tpu.memory_space<semaphore_mem>>) src(%dma_wait3A_406 : memref<32x128xf32, #tpu.memory_space<vmem>>) dst(%dma_wait3A_403 : memref<32x128xf32, #tpu.memory_space<vmem_shared>>)
    %add3A_407 = arith.constant 320 : i32
    %add3A_408 = arith.addi %mul3A_47, %add3A_407 : i32
    %dma_wait3A_409 = arith.constant 0 : i32
    %dma_wait3A_410 = arith.constant 0 : i32
    %dma_wait3A_411 = tpu.memref_slice %arg10[%dma_wait3A_409, %dma_wait3A_410] : memref<128x128xf32, #tpu.memory_space<vmem>> -> memref<32x128xf32, #tpu.memory_space<vmem>>
    %dma_wait3A_412 = arith.constant 0 : i32
    %dma_wait3A_413 = tpu.memref_slice %arg17[%add3A_408, %dma_wait3A_412] : memref<10112x128xf32, #tpu.memory_space<vmem_shared>> -> memref<32x128xf32, #tpu.memory_space<vmem_shared>>
    %dma_wait3A_414 = arith.constant 0 : i32
    %dma_wait3A_415 = tpu.memref_slice %arg17[%add3A_408, %dma_wait3A_414] : memref<10112x128xf32, #tpu.memory_space<vmem_shared>> -> memref<32x128xf32, #tpu.memory_space<vmem_shared>>
    %dma_wait3A_416 = arith.constant 0 : i32
    %dma_wait3A_417 = arith.constant 0 : i32
    %dma_wait3A_418 = tpu.memref_slice %arg10[%dma_wait3A_416, %dma_wait3A_417] : memref<128x128xf32, #tpu.memory_space<vmem>> -> memref<32x128xf32, #tpu.memory_space<vmem>>
    tpu.wait_dma2 semaphore(%arg16 : memref<!tpu.dma_semaphore, #tpu.memory_space<semaphore_mem>>) src(%dma_wait3A_418 : memref<32x128xf32, #tpu.memory_space<vmem>>) dst(%dma_wait3A_415 : memref<32x128xf32, #tpu.memory_space<vmem_shared>>)
    %add3A_419 = arith.constant 352 : i32
    %add3A_420 = arith.addi %mul3A_47, %add3A_419 : i32
    %dma_wait3A_421 = arith.constant 0 : i32
    %dma_wait3A_422 = arith.constant 0 : i32
    %dma_wait3A_423 = tpu.memref_slice %arg10[%dma_wait3A_421, %dma_wait3A_422] : memref<128x128xf32, #tpu.memory_space<vmem>> -> memref<32x128xf32, #tpu.memory_space<vmem>>
    %dma_wait3A_424 = arith.constant 0 : i32
    %dma_wait3A_425 = tpu.memref_slice %arg17[%add3A_420, %dma_wait3A_424] : memref<10112x128xf32, #tpu.memory_space<vmem_shared>> -> memref<32x128xf32, #tpu.memory_space<vmem_shared>>
    %dma_wait3A_426 = arith.constant 0 : i32
    %dma_wait3A_427 = tpu.memref_slice %arg17[%add3A_420, %dma_wait3A_426] : memref<10112x128xf32, #tpu.memory_space<vmem_shared>> -> memref<32x128xf32, #tpu.memory_space<vmem_shared>>
    %dma_wait3A_428 = arith.constant 0 : i32
    %dma_wait3A_429 = arith.constant 0 : i32
    %dma_wait3A_430 = tpu.memref_slice %arg10[%dma_wait3A_428, %dma_wait3A_429] : memref<128x128xf32, #tpu.memory_space<vmem>> -> memref<32x128xf32, #tpu.memory_space<vmem>>
    tpu.wait_dma2 semaphore(%arg16 : memref<!tpu.dma_semaphore, #tpu.memory_space<semaphore_mem>>) src(%dma_wait3A_430 : memref<32x128xf32, #tpu.memory_space<vmem>>) dst(%dma_wait3A_427 : memref<32x128xf32, #tpu.memory_space<vmem_shared>>)
    %add3A_431 = arith.constant 384 : i32
    %add3A_432 = arith.addi %mul3A_47, %add3A_431 : i32
    %dma_wait3A_433 = arith.constant 0 : i32
    %dma_wait3A_434 = arith.constant 0 : i32
    %dma_wait3A_435 = tpu.memref_slice %arg10[%dma_wait3A_433, %dma_wait3A_434] : memref<128x128xf32, #tpu.memory_space<vmem>> -> memref<32x128xf32, #tpu.memory_space<vmem>>
    %dma_wait3A_436 = arith.constant 0 : i32
    %dma_wait3A_437 = tpu.memref_slice %arg17[%add3A_432, %dma_wait3A_436] : memref<10112x128xf32, #tpu.memory_space<vmem_shared>> -> memref<32x128xf32, #tpu.memory_space<vmem_shared>>
    %dma_wait3A_438 = arith.constant 0 : i32
    %dma_wait3A_439 = tpu.memref_slice %arg17[%add3A_432, %dma_wait3A_438] : memref<10112x128xf32, #tpu.memory_space<vmem_shared>> -> memref<32x128xf32, #tpu.memory_space<vmem_shared>>
    %dma_wait3A_440 = arith.constant 0 : i32
    %dma_wait3A_441 = arith.constant 0 : i32
    %dma_wait3A_442 = tpu.memref_slice %arg10[%dma_wait3A_440, %dma_wait3A_441] : memref<128x128xf32, #tpu.memory_space<vmem>> -> memref<32x128xf32, #tpu.memory_space<vmem>>
    tpu.wait_dma2 semaphore(%arg16 : memref<!tpu.dma_semaphore, #tpu.memory_space<semaphore_mem>>) src(%dma_wait3A_442 : memref<32x128xf32, #tpu.memory_space<vmem>>) dst(%dma_wait3A_439 : memref<32x128xf32, #tpu.memory_space<vmem_shared>>)
    %add3A_443 = arith.constant 416 : i32
    %add3A_444 = arith.addi %mul3A_47, %add3A_443 : i32
    %dma_wait3A_445 = arith.constant 0 : i32
    %dma_wait3A_446 = arith.constant 0 : i32
    %dma_wait3A_447 = tpu.memref_slice %arg10[%dma_wait3A_445, %dma_wait3A_446] : memref<128x128xf32, #tpu.memory_space<vmem>> -> memref<32x128xf32, #tpu.memory_space<vmem>>
    %dma_wait3A_448 = arith.constant 0 : i32
    %dma_wait3A_449 = tpu.memref_slice %arg17[%add3A_444, %dma_wait3A_448] : memref<10112x128xf32, #tpu.memory_space<vmem_shared>> -> memref<32x128xf32, #tpu.memory_space<vmem_shared>>
    %dma_wait3A_450 = arith.constant 0 : i32
    %dma_wait3A_451 = tpu.memref_slice %arg17[%add3A_444, %dma_wait3A_450] : memref<10112x128xf32, #tpu.memory_space<vmem_shared>> -> memref<32x128xf32, #tpu.memory_space<vmem_shared>>
    %dma_wait3A_452 = arith.constant 0 : i32
    %dma_wait3A_453 = arith.constant 0 : i32
    %dma_wait3A_454 = tpu.memref_slice %arg10[%dma_wait3A_452, %dma_wait3A_453] : memref<128x128xf32, #tpu.memory_space<vmem>> -> memref<32x128xf32, #tpu.memory_space<vmem>>
    tpu.wait_dma2 semaphore(%arg16 : memref<!tpu.dma_semaphore, #tpu.memory_space<semaphore_mem>>) src(%dma_wait3A_454 : memref<32x128xf32, #tpu.memory_space<vmem>>) dst(%dma_wait3A_451 : memref<32x128xf32, #tpu.memory_space<vmem_shared>>)
    %add3A_455 = arith.constant 448 : i32
    %add3A_456 = arith.addi %mul3A_47, %add3A_455 : i32
    %dma_wait3A_457 = arith.constant 0 : i32
    %dma_wait3A_458 = arith.constant 0 : i32
    %dma_wait3A_459 = tpu.memref_slice %arg10[%dma_wait3A_457, %dma_wait3A_458] : memref<128x128xf32, #tpu.memory_space<vmem>> -> memref<32x128xf32, #tpu.memory_space<vmem>>
    %dma_wait3A_460 = arith.constant 0 : i32
    %dma_wait3A_461 = tpu.memref_slice %arg17[%add3A_456, %dma_wait3A_460] : memref<10112x128xf32, #tpu.memory_space<vmem_shared>> -> memref<32x128xf32, #tpu.memory_space<vmem_shared>>
    %dma_wait3A_462 = arith.constant 0 : i32
    %dma_wait3A_463 = tpu.memref_slice %arg17[%add3A_456, %dma_wait3A_462] : memref<10112x128xf32, #tpu.memory_space<vmem_shared>> -> memref<32x128xf32, #tpu.memory_space<vmem_shared>>
    %dma_wait3A_464 = arith.constant 0 : i32
    %dma_wait3A_465 = arith.constant 0 : i32
    %dma_wait3A_466 = tpu.memref_slice %arg10[%dma_wait3A_464, %dma_wait3A_465] : memref<128x128xf32, #tpu.memory_space<vmem>> -> memref<32x128xf32, #tpu.memory_space<vmem>>
    tpu.wait_dma2 semaphore(%arg16 : memref<!tpu.dma_semaphore, #tpu.memory_space<semaphore_mem>>) src(%dma_wait3A_466 : memref<32x128xf32, #tpu.memory_space<vmem>>) dst(%dma_wait3A_463 : memref<32x128xf32, #tpu.memory_space<vmem_shared>>)
    %add3A_467 = arith.constant 480 : i32
    %add3A_468 = arith.addi %mul3A_47, %add3A_467 : i32
    %dma_wait3A_469 = arith.constant 0 : i32
    %dma_wait3A_470 = arith.constant 0 : i32
    %dma_wait3A_471 = tpu.memref_slice %arg10[%dma_wait3A_469, %dma_wait3A_470] : memref<128x128xf32, #tpu.memory_space<vmem>> -> memref<32x128xf32, #tpu.memory_space<vmem>>
    %dma_wait3A_472 = arith.constant 0 : i32
    %dma_wait3A_473 = tpu.memref_slice %arg17[%add3A_468, %dma_wait3A_472] : memref<10112x128xf32, #tpu.memory_space<vmem_shared>> -> memref<32x128xf32, #tpu.memory_space<vmem_shared>>
    %dma_wait3A_474 = arith.constant 0 : i32
    %dma_wait3A_475 = tpu.memref_slice %arg17[%add3A_468, %dma_wait3A_474] : memref<10112x128xf32, #tpu.memory_space<vmem_shared>> -> memref<32x128xf32, #tpu.memory_space<vmem_shared>>
    %dma_wait3A_476 = arith.constant 0 : i32
    %dma_wait3A_477 = arith.constant 0 : i32
    %dma_wait3A_478 = tpu.memref_slice %arg10[%dma_wait3A_476, %dma_wait3A_477] : memref<128x128xf32, #tpu.memory_space<vmem>> -> memref<32x128xf32, #tpu.memory_space<vmem>>
    tpu.wait_dma2 semaphore(%arg16 : memref<!tpu.dma_semaphore, #tpu.memory_space<semaphore_mem>>) src(%dma_wait3A_478 : memref<32x128xf32, #tpu.memory_space<vmem>>) dst(%dma_wait3A_475 : memref<32x128xf32, #tpu.memory_space<vmem_shared>>)
    %add3A_479 = arith.constant 512 : i32
    %add3A_480 = arith.addi %mul3A_47, %add3A_479 : i32
    %dma_wait3A_481 = arith.constant 0 : i32
    %dma_wait3A_482 = arith.constant 0 : i32
    %dma_wait3A_483 = tpu.memref_slice %arg10[%dma_wait3A_481, %dma_wait3A_482] : memref<128x128xf32, #tpu.memory_space<vmem>> -> memref<32x128xf32, #tpu.memory_space<vmem>>
    %dma_wait3A_484 = arith.constant 0 : i32
    %dma_wait3A_485 = tpu.memref_slice %arg17[%add3A_480, %dma_wait3A_484] : memref<10112x128xf32, #tpu.memory_space<vmem_shared>> -> memref<32x128xf32, #tpu.memory_space<vmem_shared>>
    %dma_wait3A_486 = arith.constant 0 : i32
    %dma_wait3A_487 = tpu.memref_slice %arg17[%add3A_480, %dma_wait3A_486] : memref<10112x128xf32, #tpu.memory_space<vmem_shared>> -> memref<32x128xf32, #tpu.memory_space<vmem_shared>>
    %dma_wait3A_488 = arith.constant 0 : i32
    %dma_wait3A_489 = arith.constant 0 : i32
    %dma_wait3A_490 = tpu.memref_slice %arg10[%dma_wait3A_488, %dma_wait3A_489] : memref<128x128xf32, #tpu.memory_space<vmem>> -> memref<32x128xf32, #tpu.memory_space<vmem>>
    tpu.wait_dma2 semaphore(%arg16 : memref<!tpu.dma_semaphore, #tpu.memory_space<semaphore_mem>>) src(%dma_wait3A_490 : memref<32x128xf32, #tpu.memory_space<vmem>>) dst(%dma_wait3A_487 : memref<32x128xf32, #tpu.memory_space<vmem_shared>>)
    %add3A_491 = arith.constant 544 : i32
    %add3A_492 = arith.addi %mul3A_47, %add3A_491 : i32
    %dma_wait3A_493 = arith.constant 0 : i32
    %dma_wait3A_494 = arith.constant 0 : i32
    %dma_wait3A_495 = tpu.memref_slice %arg10[%dma_wait3A_493, %dma_wait3A_494] : memref<128x128xf32, #tpu.memory_space<vmem>> -> memref<32x128xf32, #tpu.memory_space<vmem>>
    %dma_wait3A_496 = arith.constant 0 : i32
    %dma_wait3A_497 = tpu.memref_slice %arg17[%add3A_492, %dma_wait3A_496] : memref<10112x128xf32, #tpu.memory_space<vmem_shared>> -> memref<32x128xf32, #tpu.memory_space<vmem_shared>>
    %dma_wait3A_498 = arith.constant 0 : i32
    %dma_wait3A_499 = tpu.memref_slice %arg17[%add3A_492, %dma_wait3A_498] : memref<10112x128xf32, #tpu.memory_space<vmem_shared>> -> memref<32x128xf32, #tpu.memory_space<vmem_shared>>
    %dma_wait3A_500 = arith.constant 0 : i32
    %dma_wait3A_501 = arith.constant 0 : i32
    %dma_wait3A_502 = tpu.memref_slice %arg10[%dma_wait3A_500, %dma_wait3A_501] : memref<128x128xf32, #tpu.memory_space<vmem>> -> memref<32x128xf32, #tpu.memory_space<vmem>>
    tpu.wait_dma2 semaphore(%arg16 : memref<!tpu.dma_semaphore, #tpu.memory_space<semaphore_mem>>) src(%dma_wait3A_502 : memref<32x128xf32, #tpu.memory_space<vmem>>) dst(%dma_wait3A_499 : memref<32x128xf32, #tpu.memory_space<vmem_shared>>)
    %add3A_503 = arith.constant 576 : i32
    %add3A_504 = arith.addi %mul3A_47, %add3A_503 : i32
    %dma_wait3A_505 = arith.constant 0 : i32
    %dma_wait3A_506 = arith.constant 0 : i32
    %dma_wait3A_507 = tpu.memref_slice %arg10[%dma_wait3A_505, %dma_wait3A_506] : memref<128x128xf32, #tpu.memory_space<vmem>> -> memref<32x128xf32, #tpu.memory_space<vmem>>
    %dma_wait3A_508 = arith.constant 0 : i32
    %dma_wait3A_509 = tpu.memref_slice %arg17[%add3A_504, %dma_wait3A_508] : memref<10112x128xf32, #tpu.memory_space<vmem_shared>> -> memref<32x128xf32, #tpu.memory_space<vmem_shared>>
    %dma_wait3A_510 = arith.constant 0 : i32
    %dma_wait3A_511 = tpu.memref_slice %arg17[%add3A_504, %dma_wait3A_510] : memref<10112x128xf32, #tpu.memory_space<vmem_shared>> -> memref<32x128xf32, #tpu.memory_space<vmem_shared>>
    %dma_wait3A_512 = arith.constant 0 : i32
    %dma_wait3A_513 = arith.constant 0 : i32
    %dma_wait3A_514 = tpu.memref_slice %arg10[%dma_wait3A_512, %dma_wait3A_513] : memref<128x128xf32, #tpu.memory_space<vmem>> -> memref<32x128xf32, #tpu.memory_space<vmem>>
    tpu.wait_dma2 semaphore(%arg16 : memref<!tpu.dma_semaphore, #tpu.memory_space<semaphore_mem>>) src(%dma_wait3A_514 : memref<32x128xf32, #tpu.memory_space<vmem>>) dst(%dma_wait3A_511 : memref<32x128xf32, #tpu.memory_space<vmem_shared>>)
    %add3A_515 = arith.constant 608 : i32
    %add3A_516 = arith.addi %mul3A_47, %add3A_515 : i32
    %dma_wait3A_517 = arith.constant 0 : i32
    %dma_wait3A_518 = arith.constant 0 : i32
    %dma_wait3A_519 = tpu.memref_slice %arg10[%dma_wait3A_517, %dma_wait3A_518] : memref<128x128xf32, #tpu.memory_space<vmem>> -> memref<24x128xf32, #tpu.memory_space<vmem>>
    %dma_wait3A_520 = arith.constant 0 : i32
    %dma_wait3A_521 = tpu.memref_slice %arg17[%add3A_516, %dma_wait3A_520] : memref<10112x128xf32, #tpu.memory_space<vmem_shared>> -> memref<24x128xf32, #tpu.memory_space<vmem_shared>>
    %dma_wait3A_522 = arith.constant 0 : i32
    %dma_wait3A_523 = tpu.memref_slice %arg17[%add3A_516, %dma_wait3A_522] : memref<10112x128xf32, #tpu.memory_space<vmem_shared>> -> memref<24x128xf32, #tpu.memory_space<vmem_shared>>
    %dma_wait3A_524 = arith.constant 0 : i32
    %dma_wait3A_525 = arith.constant 0 : i32
    %dma_wait3A_526 = tpu.memref_slice %arg10[%dma_wait3A_524, %dma_wait3A_525] : memref<128x128xf32, #tpu.memory_space<vmem>> -> memref<24x128xf32, #tpu.memory_space<vmem>>
    tpu.wait_dma2 semaphore(%arg16 : memref<!tpu.dma_semaphore, #tpu.memory_space<semaphore_mem>>) src(%dma_wait3A_526 : memref<24x128xf32, #tpu.memory_space<vmem>>) dst(%dma_wait3A_523 : memref<24x128xf32, #tpu.memory_space<vmem_shared>>)
    %add3A_527 = arith.constant 2 : i32
    %add3A_528 = arith.addi %add3A_4, %add3A_527 : i32
    %dma_start3A_529 = arith.constant 0 : i32
    %dma_start3A_530 = arith.constant 0 : i32
    %dma_start3A_531 = tpu.memref_slice %arg3[%add3A_528, %dma_start3A_529, %dma_start3A_530] : memref<2500x1x128xi32, #tpu.memory_space<hbm>> -> memref<1x1x128xi32, #tpu.memory_space<hbm>>
    %dma_start3A_532 = tpu.memref_squeeze %dma_start3A_531 : memref<1x1x128xi32, #tpu.memory_space<hbm>> -> memref<1x128xi32, #tpu.memory_space<hbm>>
    %dma_start3A_533 = arith.constant 0 : i32
    %dma_start3A_534 = arith.constant 0 : i32
    %dma_start3A_535 = tpu.memref_slice %arg3[%add3A_528, %dma_start3A_533, %dma_start3A_534] : memref<2500x1x128xi32, #tpu.memory_space<hbm>> -> memref<1x1x128xi32, #tpu.memory_space<hbm>>
    %dma_start3A_536 = tpu.memref_squeeze %dma_start3A_535 : memref<1x1x128xi32, #tpu.memory_space<hbm>> -> memref<1x128xi32, #tpu.memory_space<hbm>>
    tpu.enqueue_dma source(%dma_start3A_536 : memref<1x128xi32, #tpu.memory_space<hbm>>) target(%arg7 : memref<1x128xi32, #tpu.memory_space<vmem>>) target_semaphore(%arg13 : memref<!tpu.dma_semaphore, #tpu.memory_space<semaphore_mem>>)
    %mul3A_537 = arith.constant 128 : i32
    %mul3A_538 = arith.muli %add3A_528, %mul3A_537 : i32
    %dma_start3A_539 = arith.constant 0 : i32
    %dma_start3A_540 = tpu.memref_slice %arg2[%mul3A_538, %dma_start3A_539] : memref<320000x128xf32, #tpu.memory_space<hbm>> -> memref<128x128xf32, #tpu.memory_space<hbm>>
    %dma_start3A_541 = arith.constant 0 : i32
    %dma_start3A_542 = tpu.memref_slice %arg2[%mul3A_538, %dma_start3A_541] : memref<320000x128xf32, #tpu.memory_space<hbm>> -> memref<128x128xf32, #tpu.memory_space<hbm>>
    tpu.enqueue_dma source(%dma_start3A_542 : memref<128x128xf32, #tpu.memory_space<hbm>>) target(%arg10 : memref<128x128xf32, #tpu.memory_space<vmem>>) target_semaphore(%arg13 : memref<!tpu.dma_semaphore, #tpu.memory_space<semaphore_mem>>)
    %barrier3A = arith.constant 0 : index
    tpu.barrier barrier_id(%barrier3A)
    %scan3A_543 = arith.constant 0 : i32
    %scan3A_544 = arith.constant 0 : i32
    %scan3A_545 = arith.constant 27 : i32
    %scan3A_546 = arith.addi %scan3A_544, %scan3A_545 : i32
    %scan3A_547 = arith.constant 1 : i32
    %scan3A_548 = scf.for %scan3A_574 = %scan3A_544 to %scan3A_546 step %scan3A_547 iter_args(%scan3A_575 = %scan3A_543) -> (i32)  : i32 {
      %mul3A_576 = arith.constant 3 : i32
      %mul3A_577 = arith.muli %mul3A_576, %scan3A_574 : i32
      %add3A_578 = arith.constant 0 : i32
      %add3A_579 = arith.addi %mul3A_577, %add3A_578 : i32
      %add3A_580 = arith.constant 3 : i32
      %add3A_581 = arith.addi %add3A_579, %add3A_580 : i32
      %lt3A_582 = arith.cmpi slt, %add3A_579, %add3A_8 : i32
      %convert_element_type3A_583 = arith.extui %lt3A_582 : i1 to i32
      %cond3A_584 = arith.constant 0 : i32
      %cond3A_585 = arith.cmpi ne, %convert_element_type3A_583, %cond3A_584 : i32
      scf.if %cond3A_585 {
        %add3A_619 = arith.addi %add3A_4, %add3A_579 : i32
        %dma_wait3A_620 = arith.constant 0 : i32
        %dma_wait3A_621 = arith.constant 0 : i32
        %dma_wait3A_622 = tpu.memref_slice %arg3[%add3A_619, %dma_wait3A_620, %dma_wait3A_621] : memref<2500x1x128xi32, #tpu.memory_space<hbm>> -> memref<1x1x128xi32, #tpu.memory_space<hbm>>
        %dma_wait3A_623 = tpu.memref_squeeze %dma_wait3A_622 : memref<1x1x128xi32, #tpu.memory_space<hbm>> -> memref<1x128xi32, #tpu.memory_space<hbm>>
        %dma_wait3A_624 = arith.constant 0 : i32
        %dma_wait3A_625 = arith.constant 0 : i32
        %dma_wait3A_626 = tpu.memref_slice %arg3[%add3A_619, %dma_wait3A_624, %dma_wait3A_625] : memref<2500x1x128xi32, #tpu.memory_space<hbm>> -> memref<1x1x128xi32, #tpu.memory_space<hbm>>
        %dma_wait3A_627 = tpu.memref_squeeze %dma_wait3A_626 : memref<1x1x128xi32, #tpu.memory_space<hbm>> -> memref<1x128xi32, #tpu.memory_space<hbm>>
        tpu.wait_dma2 semaphore(%arg11 : memref<!tpu.dma_semaphore, #tpu.memory_space<semaphore_mem>>) src(%dma_wait3A_627 : memref<1x128xi32, #tpu.memory_space<hbm>>) dst(%arg5 : memref<1x128xi32, #tpu.memory_space<vmem>>)
        %mul3A_628 = arith.constant 128 : i32
        %mul3A_629 = arith.muli %add3A_619, %mul3A_628 : i32
        %dma_wait3A_630 = arith.constant 0 : i32
        %dma_wait3A_631 = tpu.memref_slice %arg2[%mul3A_629, %dma_wait3A_630] : memref<320000x128xf32, #tpu.memory_space<hbm>> -> memref<128x128xf32, #tpu.memory_space<hbm>>
        %dma_wait3A_632 = arith.constant 0 : i32
        %dma_wait3A_633 = tpu.memref_slice %arg2[%mul3A_629, %dma_wait3A_632] : memref<320000x128xf32, #tpu.memory_space<hbm>> -> memref<128x128xf32, #tpu.memory_space<hbm>>
        tpu.wait_dma2 semaphore(%arg11 : memref<!tpu.dma_semaphore, #tpu.memory_space<semaphore_mem>>) src(%dma_wait3A_633 : memref<128x128xf32, #tpu.memory_space<hbm>>) dst(%arg8 : memref<128x128xf32, #tpu.memory_space<vmem>>)
        %dma_start3A_634 = arith.constant 0 : i32
        %dma_start3A_635 = arith.constant 0 : i32
        %dma_start3A_636 = tpu.memref_slice %arg5[%dma_start3A_634, %dma_start3A_635] : memref<1x128xi32, #tpu.memory_space<vmem>> -> memref<1x128xi32, #tpu.memory_space<vmem>>
        %dma_start3A_637 = tpu.memref_squeeze %dma_start3A_636 : memref<1x128xi32, #tpu.memory_space<vmem>> -> memref<128xi32, #tpu.memory_space<vmem>>
        %dma_start3A_638 = arith.constant 0 : i32
        %dma_start3A_639 = arith.constant 0 : i32
        %dma_start3A_640 = tpu.memref_slice %arg17[%dma_start3A_638, %dma_start3A_639] : memref<10112x128xf32, #tpu.memory_space<vmem_shared>> -> memref<10112x128xf32, #tpu.memory_space<vmem_shared>>
        tpu.enqueue_indirect_dma source(%arg8 : memref<128x128xf32, #tpu.memory_space<vmem>>) target(%dma_start3A_640 : memref<10112x128xf32, #tpu.memory_space<vmem_shared>>) offsets(%dma_start3A_637 : memref<128xi32, #tpu.memory_space<vmem>>) semaphore(%arg14 : memref<!tpu.dma_semaphore, #tpu.memory_space<semaphore_mem>>) {add = true}
      } else {
      }
      %lt3A_586 = arith.cmpi slt, %add3A_581, %add3A_8 : i32
      %convert_element_type3A_587 = arith.extui %lt3A_586 : i1 to i32
      %cond3A_588 = arith.constant 0 : i32
      %cond3A_589 = arith.cmpi ne, %convert_element_type3A_587, %cond3A_588 : i32
      scf.if %cond3A_589 {
        %dma_wait3A_619 = arith.constant 0 : i32
        %dma_wait3A_620 = arith.constant 0 : i32
        %dma_wait3A_621 = tpu.memref_slice %arg5[%dma_wait3A_619, %dma_wait3A_620] : memref<1x128xi32, #tpu.memory_space<vmem>> -> memref<1x128xi32, #tpu.memory_space<vmem>>
        %dma_wait3A_622 = tpu.memref_squeeze %dma_wait3A_621 : memref<1x128xi32, #tpu.memory_space<vmem>> -> memref<128xi32, #tpu.memory_space<vmem>>
        %dma_wait3A_623 = arith.constant 0 : i32
        %dma_wait3A_624 = arith.constant 0 : i32
        %dma_wait3A_625 = tpu.memref_slice %arg17[%dma_wait3A_623, %dma_wait3A_624] : memref<10112x128xf32, #tpu.memory_space<vmem_shared>> -> memref<10112x128xf32, #tpu.memory_space<vmem_shared>>
        tpu.wait_indirect_dma semaphore(%arg14 : memref<!tpu.dma_semaphore, #tpu.memory_space<semaphore_mem>>) src(%arg8 : memref<128x128xf32, #tpu.memory_space<vmem>>) dst(%dma_wait3A_625 : memref<10112x128xf32, #tpu.memory_space<vmem_shared>>)
        %add3A_626 = arith.addi %add3A_4, %add3A_581 : i32
        %dma_start3A_627 = arith.constant 0 : i32
        %dma_start3A_628 = arith.constant 0 : i32
        %dma_start3A_629 = tpu.memref_slice %arg3[%add3A_626, %dma_start3A_627, %dma_start3A_628] : memref<2500x1x128xi32, #tpu.memory_space<hbm>> -> memref<1x1x128xi32, #tpu.memory_space<hbm>>
        %dma_start3A_630 = tpu.memref_squeeze %dma_start3A_629 : memref<1x1x128xi32, #tpu.memory_space<hbm>> -> memref<1x128xi32, #tpu.memory_space<hbm>>
        %dma_start3A_631 = arith.constant 0 : i32
        %dma_start3A_632 = arith.constant 0 : i32
        %dma_start3A_633 = tpu.memref_slice %arg3[%add3A_626, %dma_start3A_631, %dma_start3A_632] : memref<2500x1x128xi32, #tpu.memory_space<hbm>> -> memref<1x1x128xi32, #tpu.memory_space<hbm>>
        %dma_start3A_634 = tpu.memref_squeeze %dma_start3A_633 : memref<1x1x128xi32, #tpu.memory_space<hbm>> -> memref<1x128xi32, #tpu.memory_space<hbm>>
        tpu.enqueue_dma source(%dma_start3A_634 : memref<1x128xi32, #tpu.memory_space<hbm>>) target(%arg5 : memref<1x128xi32, #tpu.memory_space<vmem>>) target_semaphore(%arg11 : memref<!tpu.dma_semaphore, #tpu.memory_space<semaphore_mem>>)
        %mul3A_635 = arith.constant 128 : i32
        %mul3A_636 = arith.muli %add3A_626, %mul3A_635 : i32
        %dma_start3A_637 = arith.constant 0 : i32
        %dma_start3A_638 = tpu.memref_slice %arg2[%mul3A_636, %dma_start3A_637] : memref<320000x128xf32, #tpu.memory_space<hbm>> -> memref<128x128xf32, #tpu.memory_space<hbm>>
        %dma_start3A_639 = arith.constant 0 : i32
        %dma_start3A_640 = tpu.memref_slice %arg2[%mul3A_636, %dma_start3A_639] : memref<320000x128xf32, #tpu.memory_space<hbm>> -> memref<128x128xf32, #tpu.memory_space<hbm>>
        tpu.enqueue_dma source(%dma_start3A_640 : memref<128x128xf32, #tpu.memory_space<hbm>>) target(%arg8 : memref<128x128xf32, #tpu.memory_space<vmem>>) target_semaphore(%arg11 : memref<!tpu.dma_semaphore, #tpu.memory_space<semaphore_mem>>)
      } else {
      }
      %mul3A_590 = arith.constant 3 : i32
      %mul3A_591 = arith.muli %mul3A_590, %scan3A_574 : i32
      %add3A_592 = arith.constant 1 : i32
      %add3A_593 = arith.addi %mul3A_591, %add3A_592 : i32
      %add3A_594 = arith.constant 3 : i32
      %add3A_595 = arith.addi %add3A_593, %add3A_594 : i32
      %lt3A_596 = arith.cmpi slt, %add3A_593, %add3A_8 : i32
      %convert_element_type3A_597 = arith.extui %lt3A_596 : i1 to i32
      %cond3A_598 = arith.constant 0 : i32
      %cond3A_599 = arith.cmpi ne, %convert_element_type3A_597, %cond3A_598 : i32
      scf.if %cond3A_599 {
        %add3A_619 = arith.addi %add3A_4, %add3A_593 : i32
        %dma_wait3A_620 = arith.constant 0 : i32
        %dma_wait3A_621 = arith.constant 0 : i32
        %dma_wait3A_622 = tpu.memref_slice %arg3[%add3A_619, %dma_wait3A_620, %dma_wait3A_621] : memref<2500x1x128xi32, #tpu.memory_space<hbm>> -> memref<1x1x128xi32, #tpu.memory_space<hbm>>
        %dma_wait3A_623 = tpu.memref_squeeze %dma_wait3A_622 : memref<1x1x128xi32, #tpu.memory_space<hbm>> -> memref<1x128xi32, #tpu.memory_space<hbm>>
        %dma_wait3A_624 = arith.constant 0 : i32
        %dma_wait3A_625 = arith.constant 0 : i32
        %dma_wait3A_626 = tpu.memref_slice %arg3[%add3A_619, %dma_wait3A_624, %dma_wait3A_625] : memref<2500x1x128xi32, #tpu.memory_space<hbm>> -> memref<1x1x128xi32, #tpu.memory_space<hbm>>
        %dma_wait3A_627 = tpu.memref_squeeze %dma_wait3A_626 : memref<1x1x128xi32, #tpu.memory_space<hbm>> -> memref<1x128xi32, #tpu.memory_space<hbm>>
        tpu.wait_dma2 semaphore(%arg12 : memref<!tpu.dma_semaphore, #tpu.memory_space<semaphore_mem>>) src(%dma_wait3A_627 : memref<1x128xi32, #tpu.memory_space<hbm>>) dst(%arg6 : memref<1x128xi32, #tpu.memory_space<vmem>>)
        %mul3A_628 = arith.constant 128 : i32
        %mul3A_629 = arith.muli %add3A_619, %mul3A_628 : i32
        %dma_wait3A_630 = arith.constant 0 : i32
        %dma_wait3A_631 = tpu.memref_slice %arg2[%mul3A_629, %dma_wait3A_630] : memref<320000x128xf32, #tpu.memory_space<hbm>> -> memref<128x128xf32, #tpu.memory_space<hbm>>
        %dma_wait3A_632 = arith.constant 0 : i32
        %dma_wait3A_633 = tpu.memref_slice %arg2[%mul3A_629, %dma_wait3A_632] : memref<320000x128xf32, #tpu.memory_space<hbm>> -> memref<128x128xf32, #tpu.memory_space<hbm>>
        tpu.wait_dma2 semaphore(%arg12 : memref<!tpu.dma_semaphore, #tpu.memory_space<semaphore_mem>>) src(%dma_wait3A_633 : memref<128x128xf32, #tpu.memory_space<hbm>>) dst(%arg9 : memref<128x128xf32, #tpu.memory_space<vmem>>)
        %dma_start3A_634 = arith.constant 0 : i32
        %dma_start3A_635 = arith.constant 0 : i32
        %dma_start3A_636 = tpu.memref_slice %arg6[%dma_start3A_634, %dma_start3A_635] : memref<1x128xi32, #tpu.memory_space<vmem>> -> memref<1x128xi32, #tpu.memory_space<vmem>>
        %dma_start3A_637 = tpu.memref_squeeze %dma_start3A_636 : memref<1x128xi32, #tpu.memory_space<vmem>> -> memref<128xi32, #tpu.memory_space<vmem>>
        %dma_start3A_638 = arith.constant 0 : i32
        %dma_start3A_639 = arith.constant 0 : i32
        %dma_start3A_640 = tpu.memref_slice %arg17[%dma_start3A_638, %dma_start3A_639] : memref<10112x128xf32, #tpu.memory_space<vmem_shared>> -> memref<10112x128xf32, #tpu.memory_space<vmem_shared>>
        tpu.enqueue_indirect_dma source(%arg9 : memref<128x128xf32, #tpu.memory_space<vmem>>) target(%dma_start3A_640 : memref<10112x128xf32, #tpu.memory_space<vmem_shared>>) offsets(%dma_start3A_637 : memref<128xi32, #tpu.memory_space<vmem>>) semaphore(%arg15 : memref<!tpu.dma_semaphore, #tpu.memory_space<semaphore_mem>>) {add = true}
      } else {
      }
      %lt3A_600 = arith.cmpi slt, %add3A_595, %add3A_8 : i32
      %convert_element_type3A_601 = arith.extui %lt3A_600 : i1 to i32
      %cond3A_602 = arith.constant 0 : i32
      %cond3A_603 = arith.cmpi ne, %convert_element_type3A_601, %cond3A_602 : i32
      scf.if %cond3A_603 {
        %dma_wait3A_619 = arith.constant 0 : i32
        %dma_wait3A_620 = arith.constant 0 : i32
        %dma_wait3A_621 = tpu.memref_slice %arg6[%dma_wait3A_619, %dma_wait3A_620] : memref<1x128xi32, #tpu.memory_space<vmem>> -> memref<1x128xi32, #tpu.memory_space<vmem>>
        %dma_wait3A_622 = tpu.memref_squeeze %dma_wait3A_621 : memref<1x128xi32, #tpu.memory_space<vmem>> -> memref<128xi32, #tpu.memory_space<vmem>>
        %dma_wait3A_623 = arith.constant 0 : i32
        %dma_wait3A_624 = arith.constant 0 : i32
        %dma_wait3A_625 = tpu.memref_slice %arg17[%dma_wait3A_623, %dma_wait3A_624] : memref<10112x128xf32, #tpu.memory_space<vmem_shared>> -> memref<10112x128xf32, #tpu.memory_space<vmem_shared>>
        tpu.wait_indirect_dma semaphore(%arg15 : memref<!tpu.dma_semaphore, #tpu.memory_space<semaphore_mem>>) src(%arg9 : memref<128x128xf32, #tpu.memory_space<vmem>>) dst(%dma_wait3A_625 : memref<10112x128xf32, #tpu.memory_space<vmem_shared>>)
        %add3A_626 = arith.addi %add3A_4, %add3A_595 : i32
        %dma_start3A_627 = arith.constant 0 : i32
        %dma_start3A_628 = arith.constant 0 : i32
        %dma_start3A_629 = tpu.memref_slice %arg3[%add3A_626, %dma_start3A_627, %dma_start3A_628] : memref<2500x1x128xi32, #tpu.memory_space<hbm>> -> memref<1x1x128xi32, #tpu.memory_space<hbm>>
        %dma_start3A_630 = tpu.memref_squeeze %dma_start3A_629 : memref<1x1x128xi32, #tpu.memory_space<hbm>> -> memref<1x128xi32, #tpu.memory_space<hbm>>
        %dma_start3A_631 = arith.constant 0 : i32
        %dma_start3A_632 = arith.constant 0 : i32
        %dma_start3A_633 = tpu.memref_slice %arg3[%add3A_626, %dma_start3A_631, %dma_start3A_632] : memref<2500x1x128xi32, #tpu.memory_space<hbm>> -> memref<1x1x128xi32, #tpu.memory_space<hbm>>
        %dma_start3A_634 = tpu.memref_squeeze %dma_start3A_633 : memref<1x1x128xi32, #tpu.memory_space<hbm>> -> memref<1x128xi32, #tpu.memory_space<hbm>>
        tpu.enqueue_dma source(%dma_start3A_634 : memref<1x128xi32, #tpu.memory_space<hbm>>) target(%arg6 : memref<1x128xi32, #tpu.memory_space<vmem>>) target_semaphore(%arg12 : memref<!tpu.dma_semaphore, #tpu.memory_space<semaphore_mem>>)
        %mul3A_635 = arith.constant 128 : i32
        %mul3A_636 = arith.muli %add3A_626, %mul3A_635 : i32
        %dma_start3A_637 = arith.constant 0 : i32
        %dma_start3A_638 = tpu.memref_slice %arg2[%mul3A_636, %dma_start3A_637] : memref<320000x128xf32, #tpu.memory_space<hbm>> -> memref<128x128xf32, #tpu.memory_space<hbm>>
        %dma_start3A_639 = arith.constant 0 : i32
        %dma_start3A_640 = tpu.memref_slice %arg2[%mul3A_636, %dma_start3A_639] : memref<320000x128xf32, #tpu.memory_space<hbm>> -> memref<128x128xf32, #tpu.memory_space<hbm>>
        tpu.enqueue_dma source(%dma_start3A_640 : memref<128x128xf32, #tpu.memory_space<hbm>>) target(%arg9 : memref<128x128xf32, #tpu.memory_space<vmem>>) target_semaphore(%arg12 : memref<!tpu.dma_semaphore, #tpu.memory_space<semaphore_mem>>)
      } else {
      }
      %mul3A_604 = arith.constant 3 : i32
      %mul3A_605 = arith.muli %mul3A_604, %scan3A_574 : i32
      %add3A_606 = arith.constant 2 : i32
      %add3A_607 = arith.addi %mul3A_605, %add3A_606 : i32
      %add3A_608 = arith.constant 3 : i32
      %add3A_609 = arith.addi %add3A_607, %add3A_608 : i32
      %lt3A_610 = arith.cmpi slt, %add3A_607, %add3A_8 : i32
      %convert_element_type3A_611 = arith.extui %lt3A_610 : i1 to i32
      %cond3A_612 = arith.constant 0 : i32
      %cond3A_613 = arith.cmpi ne, %convert_element_type3A_611, %cond3A_612 : i32
      scf.if %cond3A_613 {
        %add3A_619 = arith.addi %add3A_4, %add3A_607 : i32
        %dma_wait3A_620 = arith.constant 0 : i32
        %dma_wait3A_621 = arith.constant 0 : i32
        %dma_wait3A_622 = tpu.memref_slice %arg3[%add3A_619, %dma_wait3A_620, %dma_wait3A_621] : memref<2500x1x128xi32, #tpu.memory_space<hbm>> -> memref<1x1x128xi32, #tpu.memory_space<hbm>>
        %dma_wait3A_623 = tpu.memref_squeeze %dma_wait3A_622 : memref<1x1x128xi32, #tpu.memory_space<hbm>> -> memref<1x128xi32, #tpu.memory_space<hbm>>
        %dma_wait3A_624 = arith.constant 0 : i32
        %dma_wait3A_625 = arith.constant 0 : i32
        %dma_wait3A_626 = tpu.memref_slice %arg3[%add3A_619, %dma_wait3A_624, %dma_wait3A_625] : memref<2500x1x128xi32, #tpu.memory_space<hbm>> -> memref<1x1x128xi32, #tpu.memory_space<hbm>>
        %dma_wait3A_627 = tpu.memref_squeeze %dma_wait3A_626 : memref<1x1x128xi32, #tpu.memory_space<hbm>> -> memref<1x128xi32, #tpu.memory_space<hbm>>
        tpu.wait_dma2 semaphore(%arg13 : memref<!tpu.dma_semaphore, #tpu.memory_space<semaphore_mem>>) src(%dma_wait3A_627 : memref<1x128xi32, #tpu.memory_space<hbm>>) dst(%arg7 : memref<1x128xi32, #tpu.memory_space<vmem>>)
        %mul3A_628 = arith.constant 128 : i32
        %mul3A_629 = arith.muli %add3A_619, %mul3A_628 : i32
        %dma_wait3A_630 = arith.constant 0 : i32
        %dma_wait3A_631 = tpu.memref_slice %arg2[%mul3A_629, %dma_wait3A_630] : memref<320000x128xf32, #tpu.memory_space<hbm>> -> memref<128x128xf32, #tpu.memory_space<hbm>>
        %dma_wait3A_632 = arith.constant 0 : i32
        %dma_wait3A_633 = tpu.memref_slice %arg2[%mul3A_629, %dma_wait3A_632] : memref<320000x128xf32, #tpu.memory_space<hbm>> -> memref<128x128xf32, #tpu.memory_space<hbm>>
        tpu.wait_dma2 semaphore(%arg13 : memref<!tpu.dma_semaphore, #tpu.memory_space<semaphore_mem>>) src(%dma_wait3A_633 : memref<128x128xf32, #tpu.memory_space<hbm>>) dst(%arg10 : memref<128x128xf32, #tpu.memory_space<vmem>>)
        %dma_start3A_634 = arith.constant 0 : i32
        %dma_start3A_635 = arith.constant 0 : i32
        %dma_start3A_636 = tpu.memref_slice %arg7[%dma_start3A_634, %dma_start3A_635] : memref<1x128xi32, #tpu.memory_space<vmem>> -> memref<1x128xi32, #tpu.memory_space<vmem>>
        %dma_start3A_637 = tpu.memref_squeeze %dma_start3A_636 : memref<1x128xi32, #tpu.memory_space<vmem>> -> memref<128xi32, #tpu.memory_space<vmem>>
        %dma_start3A_638 = arith.constant 0 : i32
        %dma_start3A_639 = arith.constant 0 : i32
        %dma_start3A_640 = tpu.memref_slice %arg17[%dma_start3A_638, %dma_start3A_639] : memref<10112x128xf32, #tpu.memory_space<vmem_shared>> -> memref<10112x128xf32, #tpu.memory_space<vmem_shared>>
        tpu.enqueue_indirect_dma source(%arg10 : memref<128x128xf32, #tpu.memory_space<vmem>>) target(%dma_start3A_640 : memref<10112x128xf32, #tpu.memory_space<vmem_shared>>) offsets(%dma_start3A_637 : memref<128xi32, #tpu.memory_space<vmem>>) semaphore(%arg16 : memref<!tpu.dma_semaphore, #tpu.memory_space<semaphore_mem>>) {add = true}
      } else {
      }
      %lt3A_614 = arith.cmpi slt, %add3A_609, %add3A_8 : i32
      %convert_element_type3A_615 = arith.extui %lt3A_614 : i1 to i32
      %cond3A_616 = arith.constant 0 : i32
      %cond3A_617 = arith.cmpi ne, %convert_element_type3A_615, %cond3A_616 : i32
      scf.if %cond3A_617 {
        %dma_wait3A_619 = arith.constant 0 : i32
        %dma_wait3A_620 = arith.constant 0 : i32
        %dma_wait3A_621 = tpu.memref_slice %arg7[%dma_wait3A_619, %dma_wait3A_620] : memref<1x128xi32, #tpu.memory_space<vmem>> -> memref<1x128xi32, #tpu.memory_space<vmem>>
        %dma_wait3A_622 = tpu.memref_squeeze %dma_wait3A_621 : memref<1x128xi32, #tpu.memory_space<vmem>> -> memref<128xi32, #tpu.memory_space<vmem>>
        %dma_wait3A_623 = arith.constant 0 : i32
        %dma_wait3A_624 = arith.constant 0 : i32
        %dma_wait3A_625 = tpu.memref_slice %arg17[%dma_wait3A_623, %dma_wait3A_624] : memref<10112x128xf32, #tpu.memory_space<vmem_shared>> -> memref<10112x128xf32, #tpu.memory_space<vmem_shared>>
        tpu.wait_indirect_dma semaphore(%arg16 : memref<!tpu.dma_semaphore, #tpu.memory_space<semaphore_mem>>) src(%arg10 : memref<128x128xf32, #tpu.memory_space<vmem>>) dst(%dma_wait3A_625 : memref<10112x128xf32, #tpu.memory_space<vmem_shared>>)
        %add3A_626 = arith.addi %add3A_4, %add3A_609 : i32
        %dma_start3A_627 = arith.constant 0 : i32
        %dma_start3A_628 = arith.constant 0 : i32
        %dma_start3A_629 = tpu.memref_slice %arg3[%add3A_626, %dma_start3A_627, %dma_start3A_628] : memref<2500x1x128xi32, #tpu.memory_space<hbm>> -> memref<1x1x128xi32, #tpu.memory_space<hbm>>
        %dma_start3A_630 = tpu.memref_squeeze %dma_start3A_629 : memref<1x1x128xi32, #tpu.memory_space<hbm>> -> memref<1x128xi32, #tpu.memory_space<hbm>>
        %dma_start3A_631 = arith.constant 0 : i32
        %dma_start3A_632 = arith.constant 0 : i32
        %dma_start3A_633 = tpu.memref_slice %arg3[%add3A_626, %dma_start3A_631, %dma_start3A_632] : memref<2500x1x128xi32, #tpu.memory_space<hbm>> -> memref<1x1x128xi32, #tpu.memory_space<hbm>>
        %dma_start3A_634 = tpu.memref_squeeze %dma_start3A_633 : memref<1x1x128xi32, #tpu.memory_space<hbm>> -> memref<1x128xi32, #tpu.memory_space<hbm>>
        tpu.enqueue_dma source(%dma_start3A_634 : memref<1x128xi32, #tpu.memory_space<hbm>>) target(%arg7 : memref<1x128xi32, #tpu.memory_space<vmem>>) target_semaphore(%arg13 : memref<!tpu.dma_semaphore, #tpu.memory_space<semaphore_mem>>)
        %mul3A_635 = arith.constant 128 : i32
        %mul3A_636 = arith.muli %add3A_626, %mul3A_635 : i32
        %dma_start3A_637 = arith.constant 0 : i32
        %dma_start3A_638 = tpu.memref_slice %arg2[%mul3A_636, %dma_start3A_637] : memref<320000x128xf32, #tpu.memory_space<hbm>> -> memref<128x128xf32, #tpu.memory_space<hbm>>
        %dma_start3A_639 = arith.constant 0 : i32
        %dma_start3A_640 = tpu.memref_slice %arg2[%mul3A_636, %dma_start3A_639] : memref<320000x128xf32, #tpu.memory_space<hbm>> -> memref<128x128xf32, #tpu.memory_space<hbm>>
        tpu.enqueue_dma source(%dma_start3A_640 : memref<128x128xf32, #tpu.memory_space<hbm>>) target(%arg10 : memref<128x128xf32, #tpu.memory_space<vmem>>) target_semaphore(%arg13 : memref<!tpu.dma_semaphore, #tpu.memory_space<semaphore_mem>>)
      } else {
      }
      %scan3A_618 = arith.constant 0 : i32
      scf.yield %scan3A_618 : i32
    }
    %scan3A_549 = arith.constant 27 : i32
    %sub3A = arith.constant 3 : i32
    %sub3A_550 = arith.subi %add3A_8, %sub3A : i32
    %add3A_551 = arith.constant 0 : i32
    %add3A_552 = arith.addi %sub3A_550, %add3A_551 : i32
    %ge3A = arith.constant 0 : i32
    %ge3A_553 = arith.cmpi sge, %add3A_552, %ge3A : i32
    %convert_element_type3A = arith.extui %ge3A_553 : i1 to i32
    %cond3A = arith.constant 0 : i32
    %cond3A_554 = arith.cmpi ne, %convert_element_type3A, %cond3A : i32
    scf.if %cond3A_554 {
      %dma_wait3A_574 = arith.constant 0 : i32
      %dma_wait3A_575 = arith.constant 0 : i32
      %dma_wait3A_576 = tpu.memref_slice %arg5[%dma_wait3A_574, %dma_wait3A_575] : memref<1x128xi32, #tpu.memory_space<vmem>> -> memref<1x128xi32, #tpu.memory_space<vmem>>
      %dma_wait3A_577 = tpu.memref_squeeze %dma_wait3A_576 : memref<1x128xi32, #tpu.memory_space<vmem>> -> memref<128xi32, #tpu.memory_space<vmem>>
      %dma_wait3A_578 = arith.constant 0 : i32
      %dma_wait3A_579 = arith.constant 0 : i32
      %dma_wait3A_580 = tpu.memref_slice %arg17[%dma_wait3A_578, %dma_wait3A_579] : memref<10112x128xf32, #tpu.memory_space<vmem_shared>> -> memref<10112x128xf32, #tpu.memory_space<vmem_shared>>
      tpu.wait_indirect_dma semaphore(%arg14 : memref<!tpu.dma_semaphore, #tpu.memory_space<semaphore_mem>>) src(%arg8 : memref<128x128xf32, #tpu.memory_space<vmem>>) dst(%dma_wait3A_580 : memref<10112x128xf32, #tpu.memory_space<vmem_shared>>)
    } else {
    }
    %sub3A_555 = arith.constant 3 : i32
    %sub3A_556 = arith.subi %add3A_8, %sub3A_555 : i32
    %add3A_557 = arith.constant 1 : i32
    %add3A_558 = arith.addi %sub3A_556, %add3A_557 : i32
    %ge3A_559 = arith.constant 0 : i32
    %ge3A_560 = arith.cmpi sge, %add3A_558, %ge3A_559 : i32
    %convert_element_type3A_561 = arith.extui %ge3A_560 : i1 to i32
    %cond3A_562 = arith.constant 0 : i32
    %cond3A_563 = arith.cmpi ne, %convert_element_type3A_561, %cond3A_562 : i32
    scf.if %cond3A_563 {
      %dma_wait3A_574 = arith.constant 0 : i32
      %dma_wait3A_575 = arith.constant 0 : i32
      %dma_wait3A_576 = tpu.memref_slice %arg6[%dma_wait3A_574, %dma_wait3A_575] : memref<1x128xi32, #tpu.memory_space<vmem>> -> memref<1x128xi32, #tpu.memory_space<vmem>>
      %dma_wait3A_577 = tpu.memref_squeeze %dma_wait3A_576 : memref<1x128xi32, #tpu.memory_space<vmem>> -> memref<128xi32, #tpu.memory_space<vmem>>
      %dma_wait3A_578 = arith.constant 0 : i32
      %dma_wait3A_579 = arith.constant 0 : i32
      %dma_wait3A_580 = tpu.memref_slice %arg17[%dma_wait3A_578, %dma_wait3A_579] : memref<10112x128xf32, #tpu.memory_space<vmem_shared>> -> memref<10112x128xf32, #tpu.memory_space<vmem_shared>>
      tpu.wait_indirect_dma semaphore(%arg15 : memref<!tpu.dma_semaphore, #tpu.memory_space<semaphore_mem>>) src(%arg9 : memref<128x128xf32, #tpu.memory_space<vmem>>) dst(%dma_wait3A_580 : memref<10112x128xf32, #tpu.memory_space<vmem_shared>>)
    } else {
    }
    %sub3A_564 = arith.constant 3 : i32
    %sub3A_565 = arith.subi %add3A_8, %sub3A_564 : i32
    %add3A_566 = arith.constant 2 : i32
    %add3A_567 = arith.addi %sub3A_565, %add3A_566 : i32
    %ge3A_568 = arith.constant 0 : i32
    %ge3A_569 = arith.cmpi sge, %add3A_567, %ge3A_568 : i32
    %convert_element_type3A_570 = arith.extui %ge3A_569 : i1 to i32
    %cond3A_571 = arith.constant 0 : i32
    %cond3A_572 = arith.cmpi ne, %convert_element_type3A_570, %cond3A_571 : i32
    scf.if %cond3A_572 {
      %dma_wait3A_574 = arith.constant 0 : i32
      %dma_wait3A_575 = arith.constant 0 : i32
      %dma_wait3A_576 = tpu.memref_slice %arg7[%dma_wait3A_574, %dma_wait3A_575] : memref<1x128xi32, #tpu.memory_space<vmem>> -> memref<1x128xi32, #tpu.memory_space<vmem>>
      %dma_wait3A_577 = tpu.memref_squeeze %dma_wait3A_576 : memref<1x128xi32, #tpu.memory_space<vmem>> -> memref<128xi32, #tpu.memory_space<vmem>>
      %dma_wait3A_578 = arith.constant 0 : i32
      %dma_wait3A_579 = arith.constant 0 : i32
      %dma_wait3A_580 = tpu.memref_slice %arg17[%dma_wait3A_578, %dma_wait3A_579] : memref<10112x128xf32, #tpu.memory_space<vmem_shared>> -> memref<10112x128xf32, #tpu.memory_space<vmem_shared>>
      tpu.wait_indirect_dma semaphore(%arg16 : memref<!tpu.dma_semaphore, #tpu.memory_space<semaphore_mem>>) src(%arg10 : memref<128x128xf32, #tpu.memory_space<vmem>>) dst(%dma_wait3A_580 : memref<10112x128xf32, #tpu.memory_space<vmem_shared>>)
    } else {
    }
    %barrier3A_573 = arith.constant 0 : index
    tpu.barrier barrier_id(%barrier3A_573)
    "tpu.region"() ({
      %run_scoped3A = tpu.sem_alloc : memref<!tpu.dma_semaphore, #tpu.memory_space<semaphore_mem>>
      %dma_start3A_574 = arith.constant 0 : i32
      %dma_start3A_575 = tpu.memref_slice %arg4[%arg0, %mul3A_47, %dma_start3A_574] : memref<2x10112x128xf32, #tpu.memory_space<hbm>> -> memref<1x632x128xf32, #tpu.memory_space<hbm>>
      %dma_start3A_576 = tpu.memref_squeeze %dma_start3A_575 : memref<1x632x128xf32, #tpu.memory_space<hbm>> -> memref<632x128xf32, #tpu.memory_space<hbm>>
      %dma_start3A_577 = arith.constant 0 : i32
      %dma_start3A_578 = tpu.memref_slice %arg17[%mul3A_47, %dma_start3A_577] : memref<10112x128xf32, #tpu.memory_space<vmem_shared>> -> memref<632x128xf32, #tpu.memory_space<vmem_shared>>
      tpu.enqueue_dma source(%dma_start3A_578 : memref<632x128xf32, #tpu.memory_space<vmem_shared>>) target(%dma_start3A_576 : memref<632x128xf32, #tpu.memory_space<hbm>>) target_semaphore(%run_scoped3A : memref<!tpu.dma_semaphore, #tpu.memory_space<semaphore_mem>>)
      %dma_wait3A_579 = arith.constant 0 : i32
      %dma_wait3A_580 = tpu.memref_slice %arg4[%arg0, %mul3A_47, %dma_wait3A_579] : memref<2x10112x128xf32, #tpu.memory_space<hbm>> -> memref<1x632x128xf32, #tpu.memory_space<hbm>>
      %dma_wait3A_581 = tpu.memref_squeeze %dma_wait3A_580 : memref<1x632x128xf32, #tpu.memory_space<hbm>> -> memref<632x128xf32, #tpu.memory_space<hbm>>
      %dma_wait3A_582 = arith.constant 0 : i32
      %dma_wait3A_583 = tpu.memref_slice %arg17[%mul3A_47, %dma_wait3A_582] : memref<10112x128xf32, #tpu.memory_space<vmem_shared>> -> memref<632x128xf32, #tpu.memory_space<vmem_shared>>
      tpu.wait_dma2 semaphore(%run_scoped3A : memref<!tpu.dma_semaphore, #tpu.memory_space<semaphore_mem>>) src(%dma_wait3A_583 : memref<632x128xf32, #tpu.memory_space<vmem_shared>>) dst(%dma_wait3A_581 : memref<632x128xf32, #tpu.memory_space<hbm>>)
      tpu.yield
    }) : () -> ()
    return
  }
}

module attributes {stable_mosaic.version = 14 : i64} {
  func.func @body(%arg0: i32, %arg1: memref<1x5000x128xf32, #tpu.memory_space<vmem>>, %arg2: memref<1x5000x128xf32, #tpu.memory_space<vmem>>, %arg3: memref<5000x128xf32, #tpu.memory_space<vmem>>, %arg4: memref<128x128xf32, #tpu.memory_space<vmem>>, %arg5: memref<1x128xf32, #tpu.memory_space<vmem>>, %arg6: memref<128x128xf32, #tpu.memory_space<vmem>>, %arg7: memref<1x128xf32, #tpu.memory_space<vmem>>, %arg8: memref<5000x128xf32, #tpu.memory_space<vmem>>) attributes {dimension_semantics = [#tpu.dimension_semantics<arbitrary>], iteration_bounds = array<i64: 2>, scalar_prefetch = 0 : i64, scratch_operands = 0 : i64, tpu.core_type = #tpu.core_type<tc>, window_params = [{transform_indices = @transform_0, window_bounds = array<i64: 1, 5000, 128>}, {transform_indices = @transform_1, window_bounds = array<i64: 1, 5000, 128>}, {transform_indices = @transform_2, window_bounds = array<i64: 5000, 128>}, {pipeline_mode = #tpu.pipeline_mode<synchronous>, transform_indices = @transform_3, window_bounds = array<i64: 128, 128>}, {pipeline_mode = #tpu.pipeline_mode<synchronous>, transform_indices = @transform_4, window_bounds = array<i64: 1, 128>}, {pipeline_mode = #tpu.pipeline_mode<synchronous>, transform_indices = @transform_5, window_bounds = array<i64: 128, 128>}, {pipeline_mode = #tpu.pipeline_mode<synchronous>, transform_indices = @transform_6, window_bounds = array<i64: 1, 128>}, {transform_indices = @transform_7, window_bounds = array<i64: 5000, 128>}]} {
    %get3A = arith.constant 0 : index
    %get3A_0 = arith.constant 0 : index
    %get3A_1 = arith.constant 0 : index
    %get3A_2 = vector.load %arg1[%get3A, %get3A_0, %get3A_1] : memref<1x5000x128xf32, #tpu.memory_space<vmem>>, vector<1x5000x128xf32>
    %get3A_3 = vector.shape_cast %get3A_2 : vector<1x5000x128xf32> to vector<5000x128xf32>
    %get3A_4 = arith.constant 0 : index
    %get3A_5 = arith.constant 0 : index
    %get3A_6 = arith.constant 0 : index
    %get3A_7 = vector.load %arg2[%get3A_4, %get3A_5, %get3A_6] : memref<1x5000x128xf32, #tpu.memory_space<vmem>>, vector<1x5000x128xf32>
    %get3A_8 = vector.shape_cast %get3A_7 : vector<1x5000x128xf32> to vector<5000x128xf32>
    %add3A = arith.addf %get3A_3, %get3A_8 : vector<5000x128xf32>
    %get3A_9 = arith.constant 0 : index
    %get3A_10 = arith.constant 0 : index
    %get3A_11 = vector.load %arg4[%get3A_9, %get3A_10] : memref<128x128xf32, #tpu.memory_space<vmem>>, vector<128x128xf32>
    %dot_general3A = arith.constant dense<0.000000e+00> : vector<5000x128xf32>
    %dot_general3A_12 = tpu.matmul %add3A, %get3A_11, %dot_general3A {dimension_numbers = #tpu.dot_dimension_numbers<[1], [0], [0], [1], [0, 0, 1, 1], [], []>, transpose_lhs_hint = false} : vector<5000x128xf32>, vector<128x128xf32>, vector<5000x128xf32> -> vector<5000x128xf32>
    %get3A_13 = arith.constant 0 : index
    %get3A_14 = arith.constant 0 : index
    %get3A_15 = vector.load %arg5[%get3A_13, %get3A_14] : memref<1x128xf32, #tpu.memory_space<vmem>>, vector<1x128xf32>
    %add3A_16 = vector.broadcast %get3A_15 : vector<1x128xf32> to vector<5000x128xf32>
    %add3A_17 = arith.addf %dot_general3A_12, %add3A_16 : vector<5000x128xf32>
    %max3A = arith.constant 0.000000e+00 : f32
    %max3A_18 = vector.broadcast %max3A : f32 to vector<5000x128xf32>
    %max3A_19 = arith.maximumf %add3A_17, %max3A_18 : vector<5000x128xf32>
    %get3A_20 = arith.constant 0 : index
    %get3A_21 = arith.constant 0 : index
    %get3A_22 = vector.load %arg6[%get3A_20, %get3A_21] : memref<128x128xf32, #tpu.memory_space<vmem>>, vector<128x128xf32>
    %dot_general3A_23 = arith.constant dense<0.000000e+00> : vector<5000x128xf32>
    %dot_general3A_24 = tpu.matmul %max3A_19, %get3A_22, %dot_general3A_23 {dimension_numbers = #tpu.dot_dimension_numbers<[1], [0], [0], [1], [0, 0, 1, 1], [], []>, transpose_lhs_hint = false} : vector<5000x128xf32>, vector<128x128xf32>, vector<5000x128xf32> -> vector<5000x128xf32>
    %get3A_25 = arith.constant 0 : index
    %get3A_26 = arith.constant 0 : index
    %get3A_27 = vector.load %arg7[%get3A_25, %get3A_26] : memref<1x128xf32, #tpu.memory_space<vmem>>, vector<1x128xf32>
    %add3A_28 = vector.broadcast %get3A_27 : vector<1x128xf32> to vector<5000x128xf32>
    %add3A_29 = arith.addf %dot_general3A_24, %add3A_28 : vector<5000x128xf32>
    %get3A_30 = arith.constant 0 : index
    %get3A_31 = arith.constant 0 : index
    %get3A_32 = vector.load %arg3[%get3A_30, %get3A_31] : memref<5000x128xf32, #tpu.memory_space<vmem>>, vector<5000x128xf32>
    %add3A_33 = arith.addf %add3A_29, %get3A_32 : vector<5000x128xf32>
    %swap3A = arith.constant 0 : index
    %swap3A_34 = arith.constant 0 : index
    %swap3A_35 = vector.load %arg8[%swap3A, %swap3A_34] : memref<5000x128xf32, #tpu.memory_space<vmem>>, vector<5000x128xf32>
    tpu.vector_store %arg8[%swap3A, %swap3A_34], %add3A_33 {strides = array<i32>} : memref<5000x128xf32, #tpu.memory_space<vmem>>, vector<5000x128xf32>,
    return
  }
  func.func @transform_0(%arg0: i32) -> (i32, i32, i32) {
    %c0_i32 = arith.constant 0 : i32
    %c0_i32_0 = arith.constant 0 : i32
    %c0_i32_1 = arith.constant 0 : i32
    return %c0_i32, %arg0, %c0_i32_0 : i32, i32, i32
  }
  func.func @transform_1(%arg0: i32) -> (i32, i32, i32) {
    %c1_i32 = arith.constant 1 : i32
    %c0_i32 = arith.constant 0 : i32
    %c0_i32_0 = arith.constant 0 : i32
    return %c1_i32, %arg0, %c0_i32 : i32, i32, i32
  }
  func.func @transform_2(%arg0: i32) -> (i32, i32) {
    %c0_i32 = arith.constant 0 : i32
    %c0_i32_0 = arith.constant 0 : i32
    return %arg0, %c0_i32 : i32, i32
  }
  func.func @transform_3(%arg0: i32) -> (i32, i32) {
    %c0_i32 = arith.constant 0 : i32
    %c0_i32_0 = arith.constant 0 : i32
    %c0_i32_1 = arith.constant 0 : i32
    return %c0_i32, %c0_i32_0 : i32, i32
  }
  func.func @transform_4(%arg0: i32) -> (i32, i32) {
    %c0_i32 = arith.constant 0 : i32
    %c0_i32_0 = arith.constant 0 : i32
    %c0_i32_1 = arith.constant 0 : i32
    return %c0_i32, %c0_i32_0 : i32, i32
  }
  func.func @transform_5(%arg0: i32) -> (i32, i32) {
    %c0_i32 = arith.constant 0 : i32
    %c0_i32_0 = arith.constant 0 : i32
    %c0_i32_1 = arith.constant 0 : i32
    return %c0_i32, %c0_i32_0 : i32, i32
  }
  func.func @transform_6(%arg0: i32) -> (i32, i32) {
    %c0_i32 = arith.constant 0 : i32
    %c0_i32_0 = arith.constant 0 : i32
    %c0_i32_1 = arith.constant 0 : i32
    return %c0_i32, %c0_i32_0 : i32, i32
  }
  func.func @transform_7(%arg0: i32) -> (i32, i32) {
    %c0_i32 = arith.constant 0 : i32
    %c0_i32_0 = arith.constant 0 : i32
    return %arg0, %c0_i32 : i32, i32
  }
}

</mosaic_0001>

<sc_bundles>
// kernel: kernel.4.cloned.1.call-start
scs
__scs_entry_jumppad:
0x0: {  	(pc) =	sbr.rel $0x88, $3  }
0x1: {  	(tag) =	ssettag $0x0;
	lr =	simm.s32 $0x1  }
0x2: {  	[smem:$0x3F9A] =	sst lr;
	_ =	strace $0xD0000000  }
0x3: {  	_ = 	snop  }
0x4: {  	_ = 	snop  }
0x5: {  	_ = 	snop  }
0x6: {  	_ = 	snop  }
0x7: {  	_ = 	snop  }
__scs_overlays_trampoline_lowered:
0x8: {  	[smem:$0x3FA9] =	sst s0  }
0x9: {  	[smem:$0x3FAA] =	sst s1  }
0xa: {  	[smem:$0x3FAB] =	sst s2  }
0xb: {  	[smem:$0x3FAC] =	sst s3  }
0xc: {  	[smem:$0x3FAD] =	sst s4  }
0xd: {  	[smem:$0x3FAE] =	sst s5  }
0xe: {  	[smem:$0x3FAF] =	sst s6  }
0xf: {  	[smem:$0x3FB0] =	sst s7  }
0x10: {  	[smem:$0x3FB1] =	sst s8  }
0x11: {  	[smem:$0x3FB2] =	sst s9;
	s0 =	simm.s32 @!p0 $0x0  }
0x12: {  	s1 =	sld [smem:$0x3F98];
	s0 =	simm.s32 @p0 $0x1  }
0x13: {  	[smem:$0x3FB3] =	sst s0;
	s0 =	simm.s32 @!p1 $0x0  }
0x14: {  	s2 =	sld [smem:$0x3F97];
	s0 =	simm.s32 @p1 $0x1  }
0x15: {  	[smem:$0x3FB4] =	sst s0;
	s0 =	simm.s32 @!p2 $0x0  }
0x16: {  	s3 =	sld [smem:$0x3FDB];
	s0 =	simm.s32 @p2 $0x1  }
0x17: {  	s4 =	simm.s32 $0x1BF5;
	[smem:$0x3FB6] =	sst s0  }
0x18: {  	s0 =	sld [smem:$0x3F99];
	_ =	swait.ge [sflag:s4], $0x0  }
0x19: {  	s7 =	sld [smem:$0x3F9A]  }
0x1a: {  	s8 =	sadd.s32 $0xFFFFE003, lr  }
0x1b: {  	s9 =	sadd.s32 $0xFFFFFEF7, lr;
	s5 =	simm.s32 $0xFFFFFFFF;
	p2 =	slt.u32 s8, $0xFFFFF086  }
0x1c: {  	p1 =	slt.u32 s9, $0xF7A;
	s5 =	simm.s32 @!p2 $0x0  }
0x1d: {  	s5 =	simm.s32 @p1 $0x1;
	p0 =	seq.s32 s7, s2  }
0x1e: {  	s7 =	smul.u32 @!p0 $0xF7A, s2;
	p2 =	seq.s32 @!p0 s5, $0x0  }
0x1f: {  	s9 =	smul.u32 $0xF7A, s1;
	s8 =	simm.s32 @!p0 $0x1BF5;
	p2 =	por !p2, p0  }
0x20: {  	[sflag:s8] =	ssyncset.s32 @!p0 $0xFFFFF086;
	s6 =	sadd.s32 @!p0 s3, s7;
	s7 =	simm.s32 @!p0 $0x108  }
0x21: {  	s3 =	sadd.s32 s3, s9;
	s6 =	sadd.s32 @!p0 $0x88, s6;
	s7 =	simm.s32 @p2 $0x1082  }
0x22: {  	[simem:s7], [sflag:s8] =	dma.local @!p0 [hbm:s6], $0xF7A  }
0x23: {  	s9 =	sor.u32 $0xD0000000, s2;
	s6 =	simm.s32 $0x108;
	_ =	swait.ge @!p0 [sflag:s8], $0x0  }
0x24: {  	s3 =	sadd.s32 $0x88, s3;
	s6 =	simm.s32 @!p1 $0x1082;
	[sflag:s4] =	ssyncset.s32 $0xFFFFF086  }
0x25: {  	[simem:s6], [sflag:s4] =	dma.local [hbm:s3], $0xF7A  }
0x26: {  	[smem:$0x3F9A] =	sst s1;
	(tag) =	ssettag s2;
	_ =	strace s9  }
0x27: {  	s1 =	sld [smem:$0x3FAA]  }
0x28: {  	s2 =	sld [smem:$0x3FAB]  }
0x29: {  	s4 =	sld [smem:$0x3FAD]  }
0x2a: {  	p0 =	seq.s32 s5, $0x0;
	s5 =	sld [smem:$0x3FAE]  }
0x2b: {  	s6 =	sld [smem:$0x3FAF]  }
0x2c: {  	s7 =	sld [smem:$0x3FB0]  }
0x2d: {  	s3 =	simm.s32 $0x108;
	s8 =	sld [smem:$0x3FB1]  }
0x2e: {  	s3 =	simm.s32 @!p0 $0x1082;
	s9 =	sld [smem:$0x3FB2]  }
0x2f: {  	lr =	sadd.s32 s0, s3;
	s0 =	sld [smem:$0x3FA9]  }
0x30: {  	s3 =	sld [smem:$0x3FAC]  }
0x31: {  	[smem:$0x3FB5] =	sst s10  }
0x32: {  	s10 =	sld [smem:$0x3FB3];
	_ =	sdelay $0x3  }
0x33: {  	p0 =	seq.s32 s10, $0x1;
	s10 =	sld [smem:$0x3FB5];
	_ =	sdelay $0x3  }
0x34: {  	[smem:$0x3FB5] =	sst s10  }
0x35: {  	s10 =	sld [smem:$0x3FB4];
	_ =	sdelay $0x3  }
0x36: {  	p1 =	seq.s32 s10, $0x1;
	s10 =	sld [smem:$0x3FB5];
	_ =	sdelay $0x3  }
0x37: {  	[smem:$0x3FB5] =	sst s10  }
0x38: {  	s10 =	sld [smem:$0x3FB6]  }
0x39: {  	_ = 	snop;
	(pc) =	sbr.ind lr, $3  }
0x3a: {  	_ = 	snop  }
0x3b: {  	_ = 	snop  }
0x3c: {  	p2 =	seq.s32 s10, $0x1;
	s10 =	sld [smem:$0x3FB5]  }
0x3d: {  	_ =	shalt  }
0x3e: {  	_ =	shalt  }
0x3f: {  	_ =	shalt  }
0x40: {  	_ =	shalt  }
0x41: {  	_ =	shalt  }
0x42: {  	_ =	shalt  }
0x43: {  	_ =	shalt  }
0x44: {  	_ =	shalt  }
0x45: {  	_ =	shalt  }
0x46: {  	_ =	shalt  }
0x47: {  	_ =	shalt  }
0x48: {  	_ =	shalt  }
0x49: {  	_ =	shalt  }
0x4a: {  	_ =	shalt  }
0x4b: {  	_ =	shalt  }
0x4c: {  	_ =	shalt  }
0x4d: {  	_ =	shalt  }
0x4e: {  	_ =	shalt  }
0x4f: {  	_ =	shalt  }
0x50: {  	_ =	shalt  }
0x51: {  	_ =	shalt  }
0x52: {  	_ =	shalt  }
0x53: {  	_ =	shalt  }
0x54: {  	_ =	shalt  }
0x55: {  	_ =	shalt  }
0x56: {  	_ =	shalt  }
0x57: {  	_ =	shalt  }
0x58: {  	_ =	shalt  }
0x59: {  	_ =	shalt  }
0x5a: {  	_ =	shalt  }
0x5b: {  	_ =	shalt  }
0x5c: {  	_ =	shalt  }
0x5d: {  	_ =	shalt  }
0x5e: {  	_ =	shalt  }
0x5f: {  	_ =	shalt  }
0x60: {  	_ =	shalt  }
0x61: {  	_ =	shalt  }
0x62: {  	_ =	shalt  }
0x63: {  	_ =	shalt  }
0x64: {  	_ =	shalt  }
0x65: {  	_ =	shalt  }
0x66: {  	_ =	shalt  }
0x67: {  	_ =	shalt  }
0x68: {  	_ =	shalt  }
0x69: {  	_ =	shalt  }
0x6a: {  	_ =	shalt  }
0x6b: {  	_ =	shalt  }
0x6c: {  	_ =	shalt  }
0x6d: {  	_ =	shalt  }
0x6e: {  	_ =	shalt  }
0x6f: {  	_ =	shalt  }
0x70: {  	_ =	shalt  }
0x71: {  	_ =	shalt  }
0x72: {  	_ =	shalt  }
0x73: {  	_ =	shalt  }
0x74: {  	_ =	shalt  }
0x75: {  	_ =	shalt  }
0x76: {  	_ =	shalt  }
0x77: {  	_ =	shalt  }
0x78: {  	_ =	shalt  }
0x79: {  	_ =	shalt  }
0x7a: {  	_ =	shalt  }
0x7b: {  	_ =	shalt  }
0x7c: {  	_ =	shalt  }
0x7d: {  	_ =	shalt  }
0x7e: {  	_ =	shalt  }
0x7f: {  	_ =	shalt  }
0x80: {  	_ =	shalt  }
0x81: {  	_ =	shalt  }
0x82: {  	_ =	shalt  }
0x83: {  	_ =	shalt  }
0x84: {  	_ =	shalt  }
0x85: {  	_ =	shalt  }
0x86: {  	_ =	shalt  }
0x87: {  	_ =	shalt  }
.Lfunc_end0:
.L_simem_size_0:
called_computation_lowered:
.L_overlay_start_0:
0x88: {  	s2 =	sld [smem:$0x3FD9]  }
0x89: {  	s3 =	sld [smem:$0x3FFE];
	_ =	sdelay $0x1  }
0x8a: {  	s1 =	srdreg.scid  }
0x8b: {  	s0 =	sand.u32 $0x1, s1  }
0x8c: {  	s17 =	sshll.u32 s0, $0xA;
	s2 =	sadd.s32 s3, s2  }
0x8d: {  	s2 =	sadd.s32 s2, s17  }
0x8e: {  	[smem:$0x3FC1] =	sst s2  }
0x8f: {  	_ = 	snop  }
0x90: {  	s2 =	sld [smem:$0x3FC8]  }
0x91: {  	s18 =	sld [smem:$0x3FD0];
	(tm) =	ssettm $0x1  }
0x92: {  	s4 =	sld [smem:$0x3FFB];
	_ =	sdelay $0x3  }
0x93: {  	_ =	strace s4  }
0x94: {  	s4 =	sld [smem:$0x3FFC];
	_ =	sdelay $0x3  }
0x95: {  	_ =	strace s4  }
0x96: {  	s4 =	sld [smem:$0x3FFD];
	_ =	sdelay $0x3  }
0x97: {  	_ =	strace s4  }
0x98: {  	_ =	strace $0x8FFFFFFF  }
0x99: {  	s19 =	sld [smem:$0x3FDB];
	_ =	sdelay $0x1  }
0x9a: {  	s5 =	simm.s32 $_scs_section_size  }
0x9b: {  	s6 =	simm.s32 $_size__tile_overlayer_lowered;
	s7 =	simm.s32 $_tile_overlayer_lowered  }
0x9c: {  	s22 =	simm.s32 $0x1BFF;
	s21 =	sshll.u32 s7, $0x1;
	s4 =	sadd.s32 s5, s19  }
0x9d: {  	s8 =	simm.s32 $0x0;
	s20 =	sshll.u32 s6, $0x1;
	s6 =	sadd.s32 s21, s4  }
0x9e: {  	[timem:s8], [sflag:s22] =	dma.local [hbm:s6], s20  }
0x9f: {  	_ =	swait.ge [sflag:s22], s20  }
0xa0: {  	s5 =	ssub.s32 $0x0, s20;
	[sflag:s22] =	ssyncset.done $0x0  }
0xa1: {  	[sflag:s22] =	ssyncadd.s32 s5;
	_ =	sdelay $0x1  }
0xa2: {  	s23 =	simm.s32 $0x1B8B  }
0xa3: {  	_ =	swait.ge [sflag:s23], $0x1  }
0xa4: {  	[sflag:s23] =	ssyncset.done $0x0  }
0xa5: {  	s25 =	simm.s32 $0x1B8E;
	s24 =	sld [smem:$0x3FFE];
	[sflag:s23] =	ssyncadd.s32 $0xFFFFFFFF  }
0xa6: {  	s26 =	simm.s32 $execute0_lowered;
	[smem:$0x3FD2] =	sst s25  }
0xa7: {  	s6 =	sshll.u32 s26, $0x1;
	_ =	strace $0x80000046;
	[dreg:$0x1] =	wrdreg $0xFFFFFFFF  }
0xa8: {  	s28 =	simm.s32 $_size_execute0_lowered;
	s4 =	sadd.s32 s4, s6;
	[dreg:$0x0] =	wrdreg $0x0  }
0xa9: {  	s6 =	sshll.u32 s28, $0x1;
	[dreg:$0x2] =	wrdreg s4  }
0xaa: {  	[dreg:$0x3] =	wrdreg s6  }
0xab: {  	[dreg:$0x4] =	wrdreg $0xC0  }
0xac: {  	_ =	task [dreg:s8], $0x5FFFF  }
0xad: {  	[dreg:$0x1] =	wrdreg $0xFFFFFFFF  }
0xae: {  	[dreg:$0x0] =	wrdreg $0x60  }
0xaf: {  	[dreg:$0x2] =	wrdreg s2  }
0xb0: {  	[dreg:$0x3] =	wrdreg s18  }
0xb1: {  	[dreg:$0x4] =	wrdreg s24  }
0xb2: {  	[dreg:$0x5] =	wrdreg $0xC1800  }
0xb3: {  	[dreg:$0x6] =	wrdreg $0x9  }
0xb4: {  	_ =	task.clear_ibuf [dreg:s8], $0x7FFFF;
	_ =	strace $0x90000046  }
0xb5: {  	s29 =	simm.s32 $0x9;
	_ =	strace $0x80000048  }
0xb6: {  	_ =	swait.ge [sflag:s29], $0x1  }
0xb7: {  	[sflag:s29] =	ssyncadd.s32 $0xFFFFFFFF  }
0xb8: {  	_ =	strace $0x90000048  }
0xb9: {  	_ =	sfence  }
0xba: {  	s30 =	sld [smem:$0x0];
	_ =	sdelay $0x2  }
0xbb: {  	s31 =	sshll.u32 s1, $0xD;
	s1 =	sshrl.u32 s1, $0x2  }
0xbc: {  	s3 =	sand.u32 $0x4000, s31;
	s1 =	sadd.s32 s1, s30  }
0xbd: {  	s0 =	sor.u32 s3, s0;
	s1 =	sshll.u32 s1, $0x11  }
0xbe: {  	s0 =	sor.u32 s1, s0  }
0xbf: {  	s0 =	sadd.s32 $0x8F2B, s0  }
0xc0: {  	[sflag:s0] =	ssyncadd.remote.s32 $0x1  }
0xc1: {  	_ =	sfence.sel $0xFFFF  }
0xc2: {  	[dreg:$0x0] =	wrdreg $0xFFFFFFFF;
	(pc) =	sbr.abs _section_cstart, $3  }
0xc3: {  	[dreg:$0x1] =	wrdreg $0xFFFFFFFF  }
0xc4: {  	_ =	task.clear_ibuf [dreg:s8], $0x2FFFF;
	_ =	strace $0x9FFFFFFF  }
0xc5: {  	(tm) =	ssettm $0x7FFFFFFF  }
tec
execute0_lowered:
.L_overlay_start_1:
0x0: {  	(tag) =	ssettag $0x1  }
0x1: {  	s0 =	rddreg [dreg:$0x0]  }
0x2: {  	s1 =	rddreg [dreg:$0x1]  }
0x3: {  	s4 =	rddreg [dreg:$0x2];
	s13 =	stileid.u32  }
0x4: {  	s3 =	srdreg.scid;
	s7 =	smul.u32 $0x13C00, s13  }
0x5: {  	s2 =	rddreg [dreg:$0x3];
	s17 =	smul.u32 $0x4F000, s13  }
0x6: {  	s5 =	sand.u32 $0x1, s3;
	s3 =	simm.s32 $0x0;
	s26 =	smul.u32 $0x9C, s13  }
0x7: {  	s8 =	sshll.u32 s13, $0x1;
	p0 =	slt.u32 s13, $0x2;
	s6 =	smul.u32 $0x13C000, s5  }
0x8: {  	[smem:$0x7FF] =	sst s3;
	s14 =	sor.u32 s5, s8;
	s15 =	ssub.s32 $0x2, s5  }
0x9: {  	_ =	strace $0x80000047;
	s9 =	smul.u32 $0x4E, s14;
	s10 =	sshrl.u32 s15, $0x1  }
0xa: {  	s6 =	sadd.s32 s7, s6;
	s7 =	smin.u32 s14, $0x4;
	s8 =	ssub.s32 s15, s10  }
0xb: {  	s6 =	sshrl.u32 s6, $0x3;
	s9 =	sadd.s32 s7, s9;
	s13 =	smax.u32 s8, $0x1  }
0xc: {  	s6 =	sadd.s32 s6, s4;
	s16 =	sshll.u32 s9, $0x4;
	s11 =	sshll.u32 s9, $0xB  }
0xd: {  	s12 =	sshll.u32 s9, $0x7;
	[dreg:$0x14] =	wrdreg s13;
	s10 =	sadd.s32 s1, s16  }
0xe: {  	s9 =	sshrl.u32 s17, $0x2;
	s18 =	sadd.s32 s0, s11;
	[dreg:$0x7] =	wrdreg s10  }
0xf: {  	s9 =	sadd.s32 s9, s2;
	s6 =	sadd.s32 $0x1000, s6;
	[dreg:$0x8] =	wrdreg s18  }
0x10: {  	s21 =	sadd.s32 $0x1000, s9;
	[dreg:$0x13] =	wrdreg s6  }
0x11: {  	s22 =	sadd.s32 $0x2000, s9;
	[dreg:$0xb] =	wrdreg s21  }
0x12: {  	s23 =	sadd.s32 $0x3000, s9;
	[dreg:$0xc] =	wrdreg s22  }
0x13: {  	s5 =	smul.u32 $0x4E, s5;
	s24 =	sadd.s32 $0x4000, s9;
	[dreg:$0xd] =	wrdreg s23  }
0x14: {  	s4 =	simm.s32 $0x4F;
	s28 =	sadd.s32 $0x5000, s9;
	[dreg:$0xe] =	wrdreg s24  }
0x15: {  	s4 =	simm.s32 @!p0 $0x4E;
	s30 =	sadd.s32 $0x6000, s9;
	[dreg:$0xf] =	wrdreg s28  }
0x16: {  	s5 =	sadd.s32 s5, s26;
	s31 =	sadd.s32 $0xFFFFFFFF, s4;
	[dreg:$0x10] =	wrdreg s30  }
0x17: {  	s5 =	sadd.s32 s7, s5;
	s14 =	sadd.s32 $0x7000, s9;
	[dreg:$0x5] =	wrdreg s31  }
0x18: {  	s7 =	sshll.u32 s5, $0xB;
	s15 =	sadd.s32 $0x8000, s9;
	[dreg:$0x15] =	wrdreg s14  }
0x19: {  	s5 =	sshll.u32 s5, $0x4;
	s16 =	sadd.s32 $0x9000, s9;
	[dreg:$0x16] =	wrdreg s15  }
0x1a: {  	s19 =	sadd.s32 $0x80, s12;
	s17 =	sadd.s32 $0xA000, s9;
	[dreg:$0x17] =	wrdreg s16  }
0x1b: {  	s20 =	sshrl.u32 s19, $0x3;
	s18 =	sadd.s32 $0xB000, s9;
	[dreg:$0x18] =	wrdreg s17  }
0x1c: {  	s10 =	sshll.u32 s19, $0x4;
	s19 =	sadd.s32 $0xC000, s9;
	[dreg:$0x19] =	wrdreg s18  }
0x1d: {  	s13 =	simm.s32 $0x6;
	s26 =	sadd.s32 $0xF000, s9;
	[dreg:$0x1a] =	wrdreg s19  }
0x1e: {  	s25 =	sadd.s32 $0x100, s12;
	s11 =	sadd.s32 s1, s20;
	[dreg:$0x1d] =	wrdreg s26  }
0x1f: {  	s29 =	sshrl.u32 s25, $0x3;
	s10 =	sadd.s32 s0, s10;
	[dreg:$0x9] =	wrdreg s11  }
0x20: {  	s5 =	sadd.s32 s5, s1;
	s12 =	sadd.s32 s1, s29;
	[dreg:$0xa] =	wrdreg s10  }
0x21: {  	s23 =	sadd.s32 $0x40, s5;
	s20 =	sadd.s32 $0xD000, s9;
	[dreg:$0x11] =	wrdreg s12  }
0x22: {  	s21 =	sadd.s32 $0xE000, s9;
	s28 =	sadd.s32 $0x10000, s9;
	[dreg:$0x1b] =	wrdreg s20  }
0x23: {  	s29 =	sadd.s32 $0x11000, s9;
	s30 =	sadd.s32 $0x12000, s9;
	[dreg:$0x1c] =	wrdreg s21  }
0x24: {  	s31 =	sadd.s32 $0x13000, s9;
	s14 =	simm.s32 $0x4;
	[dreg:$0x1e] =	wrdreg s28  }
0x25: {  	s15 =	simm.s32 $0x5;
	s16 =	simm.s32 $0x7;
	[dreg:$0x1f] =	wrdreg s29  }
0x26: {  	s17 =	simm.s32 $0x0;
	s10 =	sshll.u32 s25, $0x4;
	[smem:$0x7FC] =	sst s30  }
0x27: {  	s11 =	sadd.s32 $0xFFFFFFFE, s4;
	s12 =	sadd.s32 s7, s0;
	[smem:$0x7FD] =	sst s31  }
0x28: {  	s25 =	sadd.s32 $0x30, s5;
	s10 =	sadd.s32 s0, s10;
	[dreg:$0x6] =	wrdreg s11  }
0x29: {  	s1 =	sadd.s32 $0x2800, s12;
	s0 =	sadd.s32 $0x50, s5;
	s22 =	sadd.s32 $0x2000, s12  }
0x2a: {  	v0 =	vimm.f32 $0.0e+00;
	s24 =	sadd.s32 $0x1800, s12;
	s12 =	simm.s32 $0x8180;
	[dreg:$0x12] =	wrdreg s10  }
.LBB2_1:
0x2b: {  	s5 =	rddreg [dreg:$0x7]  }
0x2c: {  	s26 =	rddreg [dreg:$0x8]  }
0x2d: {  	[tilespmem:s3], [sflag:$0x1] =	stream.linear.gather [hbm4b:s5+s3], $0x80, $0x38;
	[tilespmem:$0x1FD80] =	vst v63  }
0x2e: {  	s6 =	simm.s32 $0x180;
	s28 =	rddreg [dreg:$0x9]  }
0x2f: {  	[tilespmem:s6], [sflag:$0x1] =	stream.linear.gather [hbm4b:s26+s3], $0x4000, $0x38;
	[tilespmem:$0x1FD80] =	vst v63  }
0x30: {  	s29 =	simm.s32 $0x80;
	s30 =	rddreg [dreg:$0xa]  }
0x31: {  	[tilespmem:s29], [sflag:$0x2] =	stream.linear.gather [hbm4b:s28+s3], $0x80, $0x38;
	[tilespmem:$0x1FD80] =	vst v63  }
0x32: {  	s31 =	simm.s32 $0x4180;
	s5 =	simm.s32 $0x0;
	s6 =	simm.s32 $0x200  }
0x33: {  	[tilespmem:s31], [sflag:$0x2] =	stream.linear.gather [hbm4b:s30+s3], $0x4000, $0x38;
	[tilespmem:$0x1FD80] =	vst v63  }
.LBB2_2:
0x34: {  	p0 =	sne.s32 s6, $0x3E00;
	[tilespmem:s5+$0x81F0] =	vst v0  }
0x35: {  	[tilespmem:s5+$0x8180] =	vst v0  }
0x36: {  	[tilespmem:s5+$0x8190] =	vst v0  }
.Ltmp0:
0x37: {  	[tilespmem:s5+$0x81A0] =	vst v0;
	(pc) =	sbr.rel @p0 .LBB2_2-.Ltmp0, $4  }
0x38: {  	[tilespmem:s5+$0x81B0] =	vst v0  }
0x39: {  	[tilespmem:s5+$0x81C0] =	vst v0  }
0x3a: {  	[tilespmem:s5+$0x81D0] =	vst v0  }
0x3b: {  	[tilespmem:s5+$0x81E0] =	vst v0;
	s5 =	sshra.s32 s6, $0x2;
	s6 =	sadd.s32 $0x200, s6  }
0x3c: {  	[tilespmem:s5+$0x81F0] =	vst v0  }
0x3d: {  	[tilespmem:s5+$0x8180] =	vst v0  }
0x3e: {  	[tilespmem:s5+$0x8190] =	vst v0  }
0x3f: {  	[tilespmem:s5+$0x81A0] =	vst v0  }
0x40: {  	[tilespmem:s5+$0x81B0] =	vst v0  }
0x41: {  	[tilespmem:s5+$0x81C0] =	vst v0  }
0x42: {  	[tilespmem:s5+$0x81D0] =	vst v0  }
0x43: {  	[tilespmem:s5+$0x81E0] =	vst v0;
	s20 =	rddreg [dreg:$0xb]  }
0x44: {  	[spmem:s9] =	stream.linear.scatter [tilespmem:s12], [sflag:$0x6], $0x1000, $0x38;
	[tilespmem:$0x1FD80] =	vst v63  }
0x45: {  	s21 =	rddreg [dreg:$0xc]  }
0x46: {  	[spmem:s20] =	stream.linear.scatter [tilespmem:s12], [sflag:$0x6], $0x1000, $0x38;
	[tilespmem:$0x1FD80] =	vst v63  }
0x47: {  	s26 =	rddreg [dreg:$0xd]  }
0x48: {  	[spmem:s21] =	stream.linear.scatter [tilespmem:s12], [sflag:$0x6], $0x1000, $0x38;
	[tilespmem:$0x1FD80] =	vst v63  }
0x49: {  	s6 =	rddreg [dreg:$0xe]  }
0x4a: {  	[spmem:s26] =	stream.linear.scatter [tilespmem:s12], [sflag:$0x6], $0x1000, $0x38;
	[tilespmem:$0x1FD80] =	vst v63  }
0x4b: {  	s7 =	rddreg [dreg:$0xf]  }
0x4c: {  	[spmem:s6] =	stream.linear.scatter [tilespmem:s12], [sflag:$0x6], $0x1000, $0x38;
	[tilespmem:$0x1FD80] =	vst v63  }
0x4d: {  	s8 =	rddreg [dreg:$0x10]  }
0x4e: {  	[spmem:s7] =	stream.linear.scatter [tilespmem:s12], [sflag:$0x6], $0x1000, $0x38;
	[tilespmem:$0x1FD80] =	vst v63  }
0x4f: {  	s10 =	rddreg [dreg:$0x15]  }
0x50: {  	[spmem:s8] =	stream.linear.scatter [tilespmem:s12], [sflag:$0x6], $0x1000, $0x38;
	[tilespmem:$0x1FD80] =	vst v63  }
0x51: {  	s11 =	rddreg [dreg:$0x16]  }
0x52: {  	[spmem:s10] =	stream.linear.scatter [tilespmem:s12], [sflag:$0x6], $0x1000, $0x38;
	[tilespmem:$0x1FD80] =	vst v63  }
0x53: {  	s18 =	rddreg [dreg:$0x17]  }
0x54: {  	[spmem:s11] =	stream.linear.scatter [tilespmem:s12], [sflag:$0x6], $0x1000, $0x38;
	[tilespmem:$0x1FD80] =	vst v63  }
0x55: {  	s19 =	rddreg [dreg:$0x18]  }
0x56: {  	[spmem:s18] =	stream.linear.scatter [tilespmem:s12], [sflag:$0x6], $0x1000, $0x38;
	[tilespmem:$0x1FD80] =	vst v63  }
0x57: {  	s20 =	rddreg [dreg:$0x19]  }
0x58: {  	[spmem:s19] =	stream.linear.scatter [tilespmem:s12], [sflag:$0x6], $0x1000, $0x38;
	[tilespmem:$0x1FD80] =	vst v63  }
0x59: {  	s21 =	rddreg [dreg:$0x1a]  }
0x5a: {  	[spmem:s20] =	stream.linear.scatter [tilespmem:s12], [sflag:$0x6], $0x1000, $0x38;
	[tilespmem:$0x1FD80] =	vst v63  }
0x5b: {  	s26 =	rddreg [dreg:$0x1b]  }
0x5c: {  	[spmem:s21] =	stream.linear.scatter [tilespmem:s12], [sflag:$0x6], $0x1000, $0x38;
	[tilespmem:$0x1FD80] =	vst v63  }
0x5d: {  	s6 =	rddreg [dreg:$0x1c]  }
0x5e: {  	[spmem:s26] =	stream.linear.scatter [tilespmem:s12], [sflag:$0x6], $0x1000, $0x38;
	[tilespmem:$0x1FD80] =	vst v63  }
0x5f: {  	s7 =	rddreg [dreg:$0x1d]  }
0x60: {  	[spmem:s6] =	stream.linear.scatter [tilespmem:s12], [sflag:$0x6], $0x1000, $0x38;
	[tilespmem:$0x1FD80] =	vst v63  }
0x61: {  	s8 =	rddreg [dreg:$0x1e]  }
0x62: {  	[spmem:s7] =	stream.linear.scatter [tilespmem:s12], [sflag:$0x6], $0x1000, $0x38;
	[tilespmem:$0x1FD80] =	vst v63  }
0x63: {  	s10 =	rddreg [dreg:$0x1f]  }
0x64: {  	[spmem:s8] =	stream.linear.scatter [tilespmem:s12], [sflag:$0x6], $0x1000, $0x38;
	[tilespmem:$0x1FD80] =	vst v63  }
0x65: {  	s11 =	sld [smem:$0x7FC]  }
0x66: {  	[spmem:s10] =	stream.linear.scatter [tilespmem:s12], [sflag:$0x6], $0x1000, $0x38;
	[tilespmem:$0x1FD80] =	vst v63  }
0x67: {  	s18 =	sld [smem:$0x7FD]  }
0x68: {  	[spmem:s11] =	stream.linear.scatter [tilespmem:s12], [sflag:$0x6], $0x1000, $0x38;
	[tilespmem:$0x1FD80] =	vst v63  }
0x69: {  	_ = 	snop  }
0x6a: {  	[spmem:s18] =	stream.linear.scatter [tilespmem:s12], [sflag:$0x6], $0xC00, $0x38;
	[tilespmem:$0x1FD80] =	vst v63  }
0x6b: {  	_ =	swait.ge [sflag:s13], $0x1000  }
0x6c: {  	[sflag:s13] =	ssyncset.done $0x0  }
0x6d: {  	[sflag:s13] =	ssyncadd.s32 $0xFFFFF000  }
0x6e: {  	_ =	swait.ge [sflag:s13], $0x1000  }
0x6f: {  	[sflag:s13] =	ssyncset.done $0x0  }
0x70: {  	[sflag:s13] =	ssyncadd.s32 $0xFFFFF000  }
0x71: {  	_ =	swait.ge [sflag:s13], $0x1000  }
0x72: {  	[sflag:s13] =	ssyncset.done $0x0  }
0x73: {  	[sflag:s13] =	ssyncadd.s32 $0xFFFFF000  }
0x74: {  	_ =	swait.ge [sflag:s13], $0x1000  }
0x75: {  	[sflag:s13] =	ssyncset.done $0x0  }
0x76: {  	[sflag:s13] =	ssyncadd.s32 $0xFFFFF000  }
0x77: {  	_ =	swait.ge [sflag:s13], $0x1000  }
0x78: {  	[sflag:s13] =	ssyncset.done $0x0  }
0x79: {  	[sflag:s13] =	ssyncadd.s32 $0xFFFFF000  }
0x7a: {  	_ =	swait.ge [sflag:s13], $0x1000  }
0x7b: {  	[sflag:s13] =	ssyncset.done $0x0  }
0x7c: {  	[sflag:s13] =	ssyncadd.s32 $0xFFFFF000  }
0x7d: {  	_ =	swait.ge [sflag:s13], $0x1000  }
0x7e: {  	[sflag:s13] =	ssyncset.done $0x0  }
0x7f: {  	[sflag:s13] =	ssyncadd.s32 $0xFFFFF000  }
0x80: {  	_ =	swait.ge [sflag:s13], $0x1000  }
0x81: {  	[sflag:s13] =	ssyncset.done $0x0  }
0x82: {  	[sflag:s13] =	ssyncadd.s32 $0xFFFFF000  }
0x83: {  	_ =	swait.ge [sflag:s13], $0x1000  }
0x84: {  	[sflag:s13] =	ssyncset.done $0x0  }
0x85: {  	[sflag:s13] =	ssyncadd.s32 $0xFFFFF000  }
0x86: {  	_ =	swait.ge [sflag:s13], $0x1000  }
0x87: {  	[sflag:s13] =	ssyncset.done $0x0  }
0x88: {  	[sflag:s13] =	ssyncadd.s32 $0xFFFFF000  }
0x89: {  	_ =	swait.ge [sflag:s13], $0x1000  }
0x8a: {  	[sflag:s13] =	ssyncset.done $0x0  }
0x8b: {  	[sflag:s13] =	ssyncadd.s32 $0xFFFFF000  }
0x8c: {  	_ =	swait.ge [sflag:s13], $0x1000  }
0x8d: {  	[sflag:s13] =	ssyncset.done $0x0  }
0x8e: {  	[sflag:s13] =	ssyncadd.s32 $0xFFFFF000  }
0x8f: {  	_ =	swait.ge [sflag:s13], $0x1000  }
0x90: {  	[sflag:s13] =	ssyncset.done $0x0  }
0x91: {  	[sflag:s13] =	ssyncadd.s32 $0xFFFFF000  }
0x92: {  	_ =	swait.ge [sflag:s13], $0x1000  }
0x93: {  	[sflag:s13] =	ssyncset.done $0x0  }
0x94: {  	[sflag:s13] =	ssyncadd.s32 $0xFFFFF000  }
0x95: {  	_ =	swait.ge [sflag:s13], $0x1000  }
0x96: {  	[sflag:s13] =	ssyncset.done $0x0  }
0x97: {  	[sflag:s13] =	ssyncadd.s32 $0xFFFFF000  }
0x98: {  	_ =	swait.ge [sflag:s13], $0x1000  }
0x99: {  	[sflag:s13] =	ssyncset.done $0x0  }
0x9a: {  	[sflag:s13] =	ssyncadd.s32 $0xFFFFF000  }
0x9b: {  	_ =	swait.ge [sflag:s13], $0x1000  }
0x9c: {  	[sflag:s13] =	ssyncset.done $0x0  }
0x9d: {  	[sflag:s13] =	ssyncadd.s32 $0xFFFFF000  }
0x9e: {  	_ =	swait.ge [sflag:s13], $0x1000  }
0x9f: {  	[sflag:s13] =	ssyncset.done $0x0  }
0xa0: {  	[sflag:s13] =	ssyncadd.s32 $0xFFFFF000  }
0xa1: {  	_ =	swait.ge [sflag:s13], $0x1000  }
0xa2: {  	[sflag:s13] =	ssyncset.done $0x0  }
0xa3: {  	[sflag:s13] =	ssyncadd.s32 $0xFFFFF000  }
0xa4: {  	_ =	swait.ge [sflag:s13], $0xC00  }
0xa5: {  	s19 =	simm.s32 $0x0;
	[sflag:s13] =	ssyncset.done $0x0  }
0xa6: {  	s7 =	simm.s32 $0x100;
	s6 =	rddreg [dreg:$0x11];
	[sflag:s13] =	ssyncadd.s32 $0xFFFFF400  }
0xa7: {  	[tilespmem:s7], [sflag:$0x3] =	stream.linear.gather [hbm4b:s6+s19], $0x80, $0x38;
	[tilespmem:$0x1FD80] =	vst v63  }
0xa8: {  	p0 =	sle.u32 s4, $0x0;
	s20 =	rddreg [dreg:$0x12]  }
0xa9: {  	[tilespmem:s12], [sflag:$0x3] =	stream.linear.gather [hbm4b:s20+s19], $0x4000, $0x38;
	[tilespmem:$0x1FD80] =	vst v63  }
0xaa: {  	s5 =	simm.s32 @!p0 $0x1;
	[bflag:$0x0] =	sbarrier.arrive $0xFFFF  }
0xab: {  	_ =	swait.ge @!p0 [sflag:s5], $0x80  }
0xac: {  	[sflag:s5] =	ssyncset.done @!p0 $0x0  }
0xad: {  	[sflag:s5] =	ssyncadd.s32 @!p0 $0xFFFFFF80  }
0xae: {  	p1 =	sle.u32 s4, $0x3;
	_ =	swait.ge @!p0 [sflag:s5], $0x4000  }
0xaf: {  	s8 =	simm.s32 @!p0 $0x80;
	s18 =	simm.s32 @!p1 $0x4;
	[sflag:s5] =	ssyncset.done @!p0 $0x0  }
0xb0: {  	s6 =	simm.s32 @!p0 $0x0;
	s7 =	simm.s32 @!p0 $0x180;
	[sflag:s5] =	ssyncadd.s32 @!p0 $0xFFFFC000  }
0xb1: {  	[spmem:s2] =	stream.indirect.scatter.add.f32 @!p0 [tilespmem:s7], [sflag:$0x4], $0x80, s6, s8, $0xb8;
	[tilespmem:$0x1FD80] =	vst v63  }
0xb2: {  	_ =	swait.ge @!p1 [sflag:s18], $0x4000  }
0xb3: {  	[sflag:s18] =	ssyncset.done @!p1 $0x0;
	s21 =	rddreg [dreg:$0x5]  }
0xb4: {  	s6 =	simm.s32 @!p1 $0x0;
	[sflag:s18] =	ssyncadd.s32 @!p1 $0xFFFFC000;
	p0 =	sle.u32 s21, $0x0  }
0xb5: {  	[tilespmem:s6], [sflag:$0x1] =	stream.linear.gather @!p1 [hbm4b:s25+s6], $0x80, $0x38;
	[tilespmem:$0x1FD80] =	vst v63  }
0xb6: {  	s7 =	simm.s32 @!p1 $0x180;
	s5 =	simm.s32 @!p0 $0x2  }
0xb7: {  	[tilespmem:s7], [sflag:$0x1] =	stream.linear.gather @!p1 [hbm4b:s24+s6], $0x4000, $0x38;
	[tilespmem:$0x1FD80] =	vst v63  }
0xb8: {  	_ =	swait.ge @!p0 [sflag:s5], $0x80  }
0xb9: {  	[sflag:s5] =	ssyncset.done @!p0 $0x0  }
0xba: {  	[sflag:s5] =	ssyncadd.s32 @!p0 $0xFFFFFF80  }
0xbb: {  	_ =	swait.ge @!p0 [sflag:s5], $0x4000  }
0xbc: {  	s6 =	simm.s32 @!p0 $0x80;
	p1 =	sle.u32 s4, $0x4;
	[sflag:s5] =	ssyncset.done @!p0 $0x0  }
0xbd: {  	s7 =	simm.s32 @!p1 $0x5;
	[sflag:s5] =	ssyncadd.s32 @!p0 $0xFFFFC000;
	s5 =	simm.s32 @!p0 $0x4180  }
0xbe: {  	[spmem:s2] =	stream.indirect.scatter.add.f32 @!p0 [tilespmem:s5], [sflag:$0x5], $0x80, s6, s6, $0xb8;
	[tilespmem:$0x1FD80] =	vst v63  }
0xbf: {  	_ =	swait.ge @!p1 [sflag:s7], $0x4000  }
0xc0: {  	s6 =	simm.s32 @!p1 $0x0;
	[sflag:s7] =	ssyncset.done @!p1 $0x0;
	s26 =	rddreg [dreg:$0x6]  }
0xc1: {  	[sflag:s7] =	ssyncadd.s32 @!p1 $0xFFFFC000;
	s7 =	simm.s32 @!p1 $0x80;
	p0 =	sle.u32 s26, $0x0  }
0xc2: {  	[tilespmem:s7], [sflag:$0x2] =	stream.linear.gather @!p1 [hbm4b:s23+s6], $0x80, $0x38;
	[tilespmem:$0x1FD80] =	vst v63  }
0xc3: {  	s28 =	sadd.s32 $0x1800, s22;
	s7 =	simm.s32 @!p1 $0x4180;
	s5 =	simm.s32 @!p0 $0x3  }
0xc4: {  	[tilespmem:s7], [sflag:$0x2] =	stream.linear.gather @!p1 [hbm4b:s22+s6], $0x4000, $0x38;
	[tilespmem:$0x1FD80] =	vst v63  }
0xc5: {  	s29 =	sadd.s32 $0x30, s23;
	s30 =	sadd.s32 $0x1800, s1;
	_ =	swait.ge @!p0 [sflag:s5], $0x80  }
0xc6: {  	s31 =	sadd.s32 $0x30, s0;
	s19 =	sadd.s32 $0x1800, s24;
	[sflag:s5] =	ssyncset.done @!p0 $0x0  }
0xc7: {  	s20 =	smov.u32 s1;
	s18 =	simm.s32 $0x3;
	[sflag:s5] =	ssyncadd.s32 @!p0 $0xFFFFFF80  }
0xc8: {  	s21 =	smov.u32 s0;
	s26 =	sadd.s32 $0x30, s25;
	_ =	swait.ge @!p0 [sflag:s5], $0x4000  }
0xc9: {  	s6 =	simm.s32 @!p0 $0x8180;
	s7 =	simm.s32 @!p0 $0x80;
	[sflag:s5] =	ssyncset.done @!p0 $0x0  }
0xca: {  	p1 =	sle.u32 s4, $0x5;
	[sflag:s5] =	ssyncadd.s32 @!p0 $0xFFFFC000;
	s5 =	simm.s32 @!p0 $0x100  }
0xcb: {  	[spmem:s2] =	stream.indirect.scatter.add.f32 @!p0 [tilespmem:s6], [sflag:$0x6], $0x80, s5, s7, $0xb8;
	[tilespmem:$0x1FD80] =	vst v63  }
0xcc: {  	s8 =	simm.s32 @!p1 $0x100;
	s7 =	simm.s32 @!p1 $0x6;
	s6 =	simm.s32 @!p1 $0x0  }
.LBB2_4:
0xcd: {  	_ =	swait.ge @!p1 [sflag:s7], $0x4000  }
0xce: {  	[sflag:s7] =	ssyncset.done @!p1 $0x0  }
0xcf: {  	p2 =	sge.u32 s18, s4;
	[sflag:s7] =	ssyncadd.s32 @!p1 $0xFFFFC000  }
0xd0: {  	[tilespmem:s8], [sflag:$0x3] =	stream.linear.gather @!p1 [hbm4b:s21+s6], $0x80, $0x38;
	[tilespmem:$0x1FD80] =	vst v63  }
0xd1: {  	s10 =	simm.s32 @!p2 $0x1;
	s7 =	simm.s32 @!p1 $0x8180  }
0xd2: {  	[tilespmem:s7], [sflag:$0x3] =	stream.linear.gather @!p1 [hbm4b:s20+s6], $0x4000, $0x38;
	[tilespmem:$0x1FD80] =	vst v63  }
0xd3: {  	_ =	swait.ge @!p2 [sflag:s10], $0x80  }
0xd4: {  	[sflag:s10] =	ssyncset.done @!p2 $0x0  }
0xd5: {  	s5 =	smov.u32 s18;
	[sflag:s10] =	ssyncadd.s32 @!p2 $0xFFFFFF80  }
0xd6: {  	s18 =	sadd.s32 $0x3, s18;
	s8 =	simm.s32 @!p2 $0x80;
	_ =	swait.ge @!p2 [sflag:s10], $0x4000  }
0xd7: {  	s6 =	simm.s32 @!p2 $0x0;
	p1 =	sge.u32 s18, s4;
	[sflag:s10] =	ssyncset.done @!p2 $0x0  }
0xd8: {  	s7 =	simm.s32 @!p2 $0x180;
	s11 =	simm.s32 @!p1 $0x4;
	[sflag:s10] =	ssyncadd.s32 @!p2 $0xFFFFC000  }
0xd9: {  	[spmem:s2] =	stream.indirect.scatter.add.f32 @!p2 [tilespmem:s7], [sflag:$0x4], $0x80, s6, s8, $0xb8;
	[tilespmem:$0x1FD80] =	vst v63  }
0xda: {  	_ =	swait.ge @!p1 [sflag:s11], $0x4000  }
0xdb: {  	[sflag:s11] =	ssyncset.done @!p1 $0x0  }
0xdc: {  	s6 =	simm.s32 @!p1 $0x0;
	s10 =	rddreg [dreg:$0x5];
	[sflag:s11] =	ssyncadd.s32 @!p1 $0xFFFFC000  }
0xdd: {  	[tilespmem:s6], [sflag:$0x1] =	stream.linear.gather @!p1 [hbm4b:s26+s6], $0x80, $0x38;
	[tilespmem:$0x1FD80] =	vst v63  }
0xde: {  	s8 =	simm.s32 @!p1 $0x180;
	p2 =	sge.u32 s5, s10  }
0xdf: {  	[tilespmem:s8], [sflag:$0x1] =	stream.linear.gather @!p1 [hbm4b:s19+s6], $0x4000, $0x38;
	[tilespmem:$0x1FD80] =	vst v63  }
0xe0: {  	s6 =	simm.s32 @!p2 $0x2  }
0xe1: {  	_ =	swait.ge @!p2 [sflag:s6], $0x80  }
0xe2: {  	[sflag:s6] =	ssyncset.done @!p2 $0x0  }
0xe3: {  	[sflag:s6] =	ssyncadd.s32 @!p2 $0xFFFFFF80  }
0xe4: {  	s10 =	sadd.s32 $0x4, s5;
	_ =	swait.ge @!p2 [sflag:s6], $0x4000  }
0xe5: {  	s8 =	simm.s32 @!p2 $0x80;
	p1 =	sge.u32 s10, s4;
	[sflag:s6] =	ssyncset.done @!p2 $0x0  }
0xe6: {  	s7 =	simm.s32 @!p1 $0x5;
	[sflag:s6] =	ssyncadd.s32 @!p2 $0xFFFFC000;
	s6 =	simm.s32 @!p2 $0x4180  }
0xe7: {  	[spmem:s2] =	stream.indirect.scatter.add.f32 @!p2 [tilespmem:s6], [sflag:$0x5], $0x80, s8, s8, $0xb8;
	[tilespmem:$0x1FD80] =	vst v63  }
0xe8: {  	p0 =	sne.s32 s18, $0x51;
	s21 =	smov.u32 s31;
	_ =	swait.ge @!p1 [sflag:s7], $0x4000  }
0xe9: {  	s31 =	sadd.s32 $0x30, s31;
	s8 =	simm.s32 @!p1 $0x80;
	[sflag:s7] =	ssyncset.done @!p1 $0x0  }
0xea: {  	s11 =	rddreg [dreg:$0x6];
	[sflag:s7] =	ssyncadd.s32 @!p1 $0xFFFFC000;
	s7 =	simm.s32 @!p1 $0x0  }
0xeb: {  	[tilespmem:s8], [sflag:$0x2] =	stream.linear.gather @!p1 [hbm4b:s29+s7], $0x80, $0x38;
	[tilespmem:$0x1FD80] =	vst v63  }
0xec: {  	s20 =	smov.u32 s30;
	p2 =	sge.u32 s5, s11;
	s8 =	simm.s32 @!p1 $0x4180  }
0xed: {  	[tilespmem:s8], [sflag:$0x2] =	stream.linear.gather @!p1 [hbm4b:s28+s7], $0x4000, $0x38;
	[tilespmem:$0x1FD80] =	vst v63  }
0xee: {  	s30 =	sadd.s32 $0x1800, s30;
	s26 =	sadd.s32 $0x30, s26;
	s8 =	simm.s32 @!p2 $0x3  }
0xef: {  	s19 =	sadd.s32 $0x1800, s19;
	s5 =	sadd.s32 $0x5, s5;
	_ =	swait.ge @!p2 [sflag:s8], $0x80  }
0xf0: {  	s29 =	sadd.s32 $0x30, s29;
	s10 =	simm.s32 @!p2 $0x8180;
	[sflag:s8] =	ssyncset.done @!p2 $0x0  }
.Ltmp1:
0xf1: {  	s11 =	simm.s32 @!p2 $0x80;
	[sflag:s8] =	ssyncadd.s32 @!p2 $0xFFFFFF80;
	(pc) =	sbr.rel @p0 .LBB2_4-.Ltmp1, $4  }
0xf2: {  	s28 =	sadd.s32 $0x1800, s28;
	p1 =	sge.u32 s5, s4;
	_ =	swait.ge @!p2 [sflag:s8], $0x4000  }
0xf3: {  	s5 =	simm.s32 @!p2 $0x100;
	s7 =	simm.s32 @!p1 $0x6;
	[sflag:s8] =	ssyncset.done @!p2 $0x0  }
0xf4: {  	s6 =	simm.s32 @!p1 $0x0;
	[sflag:s8] =	ssyncadd.s32 @!p2 $0xFFFFC000;
	s8 =	simm.s32 @!p1 $0x100  }
0xf5: {  	[spmem:s2] =	stream.indirect.scatter.add.f32 @!p2 [tilespmem:s10], [sflag:$0x6], $0x80, s5, s11, $0xb8;
	[tilespmem:$0x1FD80] =	vst v63  }
0xf6: {  	_ =	swait.ge @!p1 [sflag:s7], $0x4000  }
0xf7: {  	[sflag:s7] =	ssyncset.done @!p1 $0x0  }
0xf8: {  	[sflag:s7] =	ssyncadd.s32 @!p1 $0xFFFFC000  }
0xf9: {  	[tilespmem:s8], [sflag:$0x3] =	stream.linear.gather @!p1 [hbm4b:s21+s6], $0x80, $0x38;
	[tilespmem:$0x1FD80] =	vst v63  }
0xfa: {  	s5 =	simm.s32 @!p1 $0x8180  }
0xfb: {  	[tilespmem:s5], [sflag:$0x3] =	stream.linear.gather @!p1 [hbm4b:s20+s6], $0x4000, $0x38;
	[tilespmem:$0x1FD80] =	vst v63  }
0xfc: {  	_ =	swait.ge [sflag:s14], $0x4000  }
0xfd: {  	[sflag:s14] =	ssyncset.done $0x0  }
0xfe: {  	[sflag:s14] =	ssyncadd.s32 $0xFFFFC000  }
0xff: {  	_ =	swait.ge [sflag:s15], $0x4000  }
0x100: {  	[sflag:s15] =	ssyncset.done $0x0  }
0x101: {  	[sflag:s15] =	ssyncadd.s32 $0xFFFFC000  }
0x102: {  	_ =	swait.ge [sflag:s13], $0x4000  }
0x103: {  	[sflag:s13] =	ssyncset.done $0x0  }
0x104: {  	s28 =	stileid.u32;
	[sflag:s13] =	ssyncadd.s32 $0xFFFFC000  }
0x105: {  	s5 =	sshll.u32 s28, $0x6;
	[bflag:$0x0] =	sbarrier.arrive $0xFFFF  }
0x106: {  	s29 =	sshrl.u32 s9, $0x3;
	s5 =	sor.u32 $0x1C07, s5;
	s30 =	rddreg [dreg:$0x13]  }
0x107: {  	[hbm:s30], [sflag:s5] =	dma.local [spmem:s29], $0x2780  }
0x108: {  	_ =	swait.ge [sflag:s16], $0x2780  }
0x109: {  	s17 =	sadd.s32 $0x1, s17;
	s31 =	rddreg [dreg:$0x14]  }
0x10a: {  	p0 =	sne.s32 s17, s31  }
.Ltmp2:
0x10b: {  	_ = 	snop;
	(pc) =	sbr.rel @p0 .LBB2_1-.Ltmp2, $3  }
0x10c: {  	_ =	sdelay $0x1  }
0x10d: {  	[sflag:s16] =	ssyncset.done $0x0  }
0x10e: {  	[sflag:s16] =	ssyncadd.s32 $0xFFFFD880  }
0x10f: {  	_ =	sfence.sel $0x180000  }
0x110: {  	[bflag:$0x0] =	sbarrier.arrive $0xFFFF  }
0x111: {  	_ =	strace $0x90000047  }
0x112: {  	s0 =	stileid.u32;
	[bflag:$0x2] =	sbarrier.arrive $0xFFFF  }
0x113: {  	p0 =	sne.s32 s0, $0x0;
	s0 =	rddreg [dreg:$0x4]  }
0x114: {  	s0 =	sadd.s32 @!p0 $0x100000, s0  }
0x115: {  	[sflag:s0] =	ssyncadd.tile.s32 @!p0 $0x1;
	_ =	shalt  }
.Lfunc_end2:
_tile_overlayer_lowered:
.L_overlay_start_2:
0x116: {  	(tag) =	ssettag $0x2  }
0x117: {  	s0 =	rddreg [dreg:$0x0];
	s2 =	stileid.u32  }
0x118: {  	s1 =	rddreg [dreg:$0x1];
	p0 =	sne.s32 s2, $0x0  }
0x119: {  	s3 =	rddreg [dreg:$0x2];
	[bflag:$0x3] =	sbarrier.arrive $0xFFFF;
	s2 =	simm.s32 @!p0 $0x1C07  }
0x11a: {  	[timem:s3], [sflag:s2] =	dma.local @!p0 [hbm:s0], s1  }
0x11b: {  	s0 =	simm.s32 @!p0 $0x7  }
0x11c: {  	_ =	swait.ge @!p0 [sflag:s0], s1  }
0x11d: {  	s1 =	ssub.s32 @!p0 $0x0, s1;
	[sflag:s0] =	ssyncset.done @!p0 $0x0  }
0x11e: {  	[sflag:s0] =	ssyncadd.s32 @!p0 s1  }
0x11f: {  	[bflag:$0x3] =	sbarrier.arrive $0xFFFF  }
0x120: {  	_ =	shalt  }

</sc_bundles>
